<compile_context>
chip_gen: v7x
topology: tpu7x:2x2x1
jax: 0.10.2.dev20260603
libtpu: 0.0.44.dev20260713+nightly
codegen_flags: <defaults>
</compile_context>

<pallas_src>
import functools

import jax
import jax.numpy as jnp
from jax import lax
from jax.experimental import pallas as pl
from jax.experimental.pallas import tpu as pltpu
from jax.experimental.pallas import tpu_sc as plsc

N = 10000
E = 320000
G = 64
H = 128

NC = 2
NS = 16
NW = NC * NS
CHUNK = 128
EPW = -(-(E // NW) // CHUNK) * CHUNK
NCHUNK = EPW // CHUNK
EPAD = EPW * NW
ACC_ROWS = EPW
RPT = ACC_ROWS // NS

BLK = 2000
NBLK = N // BLK

_sc_mesh = functools.partial(
    plsc.VectorSubcoreMesh, core_axis_name="c", subcore_axis_name="s",
    num_cores=NC, num_subcores=NS)


def _sc_degree_body(dst_hbm, ones_hbm, zeros_hbm, out_hbm, acc, didx, ones_v):
  c = lax.axis_index("c")
  s = lax.axis_index("s")
  wid = s * NC + c
  pltpu.sync_copy(dst_hbm.at[wid], didx)
  pltpu.sync_copy(ones_hbm, ones_v)
  pltpu.sync_copy(zeros_hbm, acc.at[pl.ds(s * RPT, RPT)])
  plsc.subcore_barrier()

  def body(j, _):
    pltpu.sync_copy(ones_v, acc.at[didx.at[j]], add=True)
    return ()

  lax.fori_loop(0, NCHUNK, body, ())
  plsc.subcore_barrier()
  pltpu.sync_copy(acc.at[pl.ds(s * RPT, RPT)],
                  out_hbm.at[c, pl.ds(s * RPT, RPT)])


@functools.cache
def _make_sc_degree():
  return pl.kernel(
      _sc_degree_body,
      out_type=jax.ShapeDtypeStruct((NC, ACC_ROWS, H), jnp.float32),
      mesh=_sc_mesh(),
      scratch_types=[
          pltpu.VMEM_SHARED((ACC_ROWS, H), jnp.float32),
          pltpu.VMEM((NCHUNK, CHUNK), jnp.int32),
          pltpu.VMEM((CHUNK, H), jnp.float32),
      ],
  )


def _sc_degree(*args):
  return _make_sc_degree()(*args)


NRING = 2
PH = 2
CPP = NCHUNK // PH


def _sc_aggregate_body(g_hbm, src_hbm, dst_hbm, zeros_hbm, out_hbm,
                       acc, sidx, didx, rows):
  c = lax.axis_index("c")
  s = lax.axis_index("s")
  wid = s * NC + c
  pltpu.sync_copy(src_hbm.at[wid], sidx)
  pltpu.sync_copy(dst_hbm.at[wid], didx)
  pltpu.sync_copy(zeros_hbm, acc.at[pl.ds(s * RPT, RPT)])
  plsc.subcore_barrier()

  def body(j, _):
    pltpu.sync_copy(g_hbm.at[sidx.at[j]], rows)
    pltpu.sync_copy(rows, acc.at[didx.at[j]], add=True)
    return ()

  lax.fori_loop(0, NCHUNK, body, ())
  plsc.subcore_barrier()
  pltpu.sync_copy(acc.at[pl.ds(s * RPT, RPT)],
                  out_hbm.at[c, pl.ds(s * RPT, RPT)])


@functools.cache
def _make_sc_aggregate():
  return pl.kernel(
      _sc_aggregate_body,
      out_type=jax.ShapeDtypeStruct((NC, ACC_ROWS, H), jnp.float32),
      mesh=_sc_mesh(),
      scratch_types=[
          pltpu.VMEM_SHARED((ACC_ROWS, H), jnp.float32),
          pltpu.VMEM((NCHUNK, CHUNK), jnp.int32),
          pltpu.VMEM((NCHUNK, CHUNK), jnp.int32),
          pltpu.VMEM((CHUNK, H), jnp.float32),
      ],
  )


def _sc_aggregate(*args):
  return _make_sc_aggregate()(*args)


def _tc_mm_body(x_ref, w_ref, a_ref):
  a_ref[...] = jnp.dot(x_ref[...], w_ref[...],
                       preferred_element_type=jnp.float32)


def _tc_mm(x, w):
  return pl.pallas_call(
      _tc_mm_body,
      grid=(NBLK,),
      in_specs=[
          pl.BlockSpec((BLK, H), lambda i: (i, 0)),
          pl.BlockSpec((H, H), lambda i: (0, 0)),
      ],
      out_specs=pl.BlockSpec((BLK, H), lambda i: (i, 0)),
      out_shape=jax.ShapeDtypeStruct((N, H), jnp.float32),
  )(x, w)


def _tc_scale_body(a_ref, dp0_ref, dp1_ref, g_ref, dis_ref):
  deg = dp0_ref[:, 0:1] + dp1_ref[:, 0:1] + 1.0
  dis = lax.rsqrt(deg)
  g_ref[...] = a_ref[...] * dis
  dis_ref[...] = jnp.broadcast_to(dis, (BLK, H))


def _tc_scale(a, dp0, dp1):
  return pl.pallas_call(
      _tc_scale_body,
      grid=(NBLK,),
      in_specs=[
          pl.BlockSpec((BLK, H), lambda i: (i, 0)),
          pl.BlockSpec((BLK, H), lambda i: (i, 0)),
          pl.BlockSpec((BLK, H), lambda i: (i, 0)),
      ],
      out_specs=[
          pl.BlockSpec((BLK, H), lambda i: (i, 0)),
          pl.BlockSpec((BLK, H), lambda i: (i, 0)),
      ],
      out_shape=[
          jax.ShapeDtypeStruct((N, H), jnp.float32),
          jax.ShapeDtypeStruct((N, H), jnp.float32),
      ],
  )(a, dp0, dp1)


def _tc_combine_body(p0_ref, p1_ref, g_ref, dis_ref, b_ref, w_ref, out_ref):
  h = (p0_ref[...] + p1_ref[...] + g_ref[...]) * dis_ref[...] + b_ref[...]
  h = jnp.maximum(h, 0.0)
  a = jnp.dot(h, w_ref[...], preferred_element_type=jnp.float32)
  out_ref[...] = a * dis_ref[...]


def _tc_combine(p0, p1, g, dis, b, w):
  return pl.pallas_call(
      _tc_combine_body,
      grid=(NBLK,),
      in_specs=[
          pl.BlockSpec((BLK, H), lambda i: (i, 0)),
          pl.BlockSpec((BLK, H), lambda i: (i, 0)),
          pl.BlockSpec((BLK, H), lambda i: (i, 0)),
          pl.BlockSpec((BLK, H), lambda i: (i, 0)),
          pl.BlockSpec((1, H), lambda i: (0, 0)),
          pl.BlockSpec((H, H), lambda i: (0, 0)),
      ],
      out_specs=pl.BlockSpec((BLK, H), lambda i: (i, 0)),
      out_shape=jax.ShapeDtypeStruct((N, H), jnp.float32),
  )(p0, p1, g, dis, b, w)


def _tc_pool_mlp_body(p0_ref, p1_ref, g_ref, dis_ref, b_ref, batch_ref,
                      gf_ref, m1a_ref, m1g_ref, b1_ref, m2_ref, b2_ref,
                      m3_ref, b3_ref, out_ref, sums, cnt):
  i = pl.program_id(0)

  @pl.when(i == 0)
  def _():
    sums[...] = jnp.zeros((G, H), jnp.float32)
    cnt[...] = jnp.zeros((G, H), jnp.float32)

  h = (p0_ref[...] + p1_ref[...] + g_ref[...]) * dis_ref[...] + b_ref[...]
  h = jnp.maximum(h, 0.0)
  ids = lax.broadcasted_iota(jnp.int32, (BLK, G), 1)
  oh = (batch_ref[...] == ids).astype(jnp.float32)
  dn = (((0,), (0,)), ((), ()))
  sums[...] += lax.dot_general(oh, h, dn, preferred_element_type=jnp.float32)
  cnt[...] += lax.dot_general(oh, jnp.ones((BLK, H), jnp.float32), dn,
                              preferred_element_type=jnp.float32)

  @pl.when(i == NBLK - 1)
  def _():
    pooled = sums[...] / jnp.maximum(cnt[...], 1.0)
    z = jnp.dot(pooled, m1a_ref[...], preferred_element_type=jnp.float32)
    z += jnp.dot(gf_ref[...], m1g_ref[...], preferred_element_type=jnp.float32)
    z = jnp.maximum(z + b1_ref[...], 0.0)
    z = jnp.dot(z, m2_ref[...], preferred_element_type=jnp.float32)
    z = jnp.maximum(z + b2_ref[...], 0.0)
    z = jnp.dot(z, m3_ref[...], preferred_element_type=jnp.float32)
    out_ref[...] = z + b3_ref[...]


def _tc_pool_mlp(p0, p1, g, dis, b, batch2d, gfp, m1a, m1g, b1p, m2p, b2p,
                 m3p, b3p):
  full = lambda r, c: pl.BlockSpec((r, c), lambda i: (0, 0))
  return pl.pallas_call(
      _tc_pool_mlp_body,
      grid=(NBLK,),
      in_specs=[
          pl.BlockSpec((BLK, H), lambda i: (i, 0)),
          pl.BlockSpec((BLK, H), lambda i: (i, 0)),
          pl.BlockSpec((BLK, H), lambda i: (i, 0)),
          pl.BlockSpec((BLK, H), lambda i: (i, 0)),
          full(1, H),
          pl.BlockSpec((BLK, 1), lambda i: (i, 0)),
          full(G, H), full(H, H), full(H, H), full(1, H),
          full(H, H), full(1, H), full(H, H), full(1, H),
      ],
      out_specs=pl.BlockSpec((G, H), lambda i: (0, 0)),
      out_shape=jax.ShapeDtypeStruct((G, H), jnp.float32),
      scratch_shapes=[
          pltpu.VMEM((G, H), jnp.float32),
          pltpu.VMEM((G, H), jnp.float32),
      ],
  )(p0, p1, g, dis, b, batch2d, gfp, m1a, m1g, b1p, m2p, b2p, m3p, b3p)


def _pad2(a, rows, cols):
  return jnp.zeros((rows, cols), jnp.float32).at[:a.shape[0], :a.shape[1]].set(a)


def kernel(x, edge_index, batch, global_features, W1, b1, W2, b2, W3, b3,
           m1w, m1b, m2w, m2b, m3w, m3b):
  src = edge_index[0].astype(jnp.int32)
  dst = edge_index[1].astype(jnp.int32)
  pad = jnp.arange(EPAD - E, dtype=jnp.int32)
  src_p = jnp.concatenate(
      [src, pad * 37 % N]).reshape(NW, NCHUNK, CHUNK)
  dst_p = jnp.concatenate(
      [dst, N + pad % (ACC_ROWS - N)]).reshape(NW, NCHUNK, CHUNK)

  zerosH = jnp.zeros((RPT, H), jnp.float32)
  onesH = jnp.ones((CHUNK, H), jnp.float32)

  a1 = _tc_mm(x, W1)
  degp = _sc_degree(dst_p, onesH, zerosH)
  g1, dis = _tc_scale(a1, degp[0], degp[1])

  b1r = b1.reshape(1, H)
  b2r = b2.reshape(1, H)
  b3r = b3.reshape(1, H)

  a1 = _sc_aggregate(g1, src_p, dst_p, zerosH)
  g2 = _tc_combine(a1[0, :N], a1[1, :N], g1, dis, b1r, W2)
  a2 = _sc_aggregate(g2, src_p, dst_p, zerosH)
  g3 = _tc_combine(a2[0, :N], a2[1, :N], g2, dis, b2r, W3)
  a3 = _sc_aggregate(g3, src_p, dst_p, zerosH)

  batch2d = batch.astype(jnp.int32).reshape(N, 1)
  gfp = _pad2(global_features, G, H)
  m1a = _pad2(m1w[:H], H, H)
  m1g = _pad2(m1w[H:], H, H)
  b1p = _pad2(m1b.reshape(1, -1), 1, H)
  m2p = _pad2(m2w, H, H)
  b2p = _pad2(m2b.reshape(1, -1), 1, H)
  m3p = _pad2(m3w, H, H)
  b3p = _pad2(m3b.reshape(1, -1), 1, H)

  z = _tc_pool_mlp(a3[0, :N], a3[1, :N], g3, dis, b3r, batch2d, gfp,
                   m1a, m1g, b1p, m2p, b2p, m3p, b3p)
  return z[:, :1]

# --- scband reference (transcript-rebuilt; emitter-appended) ---
"""Pipeline reference for scband-gnnmodel-15109694947665 (READ-ONLY COPY).

The authoritative reference and input builder live on the scoring server;
editing this copy changes nothing except your own understanding.
"""

import jax, jax.numpy as jnp
import numpy as np

N = 10000
E = 320000
G = 64
D_IN = 128
H = 128


def gcn_conv(x, edge_index, W, b):
    n = x.shape[0]
    loop = jnp.arange(n, dtype=edge_index.dtype)
    src = jnp.concatenate([edge_index[0], loop])
    dst = jnp.concatenate([edge_index[1], loop])
    deg = jnp.zeros((n,), x.dtype).at[dst].add(1.0)
    dis = jnp.where(deg > 0, 1.0 / jnp.sqrt(jnp.maximum(deg, 1e-12)), 0.0)
    norm = dis[src] * dis[dst]
    h = x @ W
    msg = h[src] * norm[:, None]
    out = jnp.zeros((n, W.shape[1]), x.dtype).at[dst].add(msg)
    return out + b


def setup_inputs(seed: int = 0):
    key = jax.random.key(seed)
    ks = jax.random.split(key, 12)
    x = jax.random.normal(ks[0], (N, D_IN), dtype=jnp.float32)
    edge_index = jax.random.randint(ks[1], (2, E), 0, N)
    batch = jnp.sort(jax.random.randint(ks[2], (N,), 0, G))
    global_features = jax.random.normal(ks[3], (G, 3), dtype=jnp.float32)
    W1 = jax.random.normal(ks[4], (D_IN, H), dtype=jnp.float32) / np.sqrt(D_IN)
    b1 = jnp.zeros((H,), jnp.float32)
    W2 = jax.random.normal(ks[5], (H, H), dtype=jnp.float32) / np.sqrt(H)
    b2 = jnp.zeros((H,), jnp.float32)
    W3 = jax.random.normal(ks[6], (H, H), dtype=jnp.float32) / np.sqrt(H)
    b3 = jnp.zeros((H,), jnp.float32)
    m1w = jax.random.normal(ks[7], (H + 3, 64), dtype=jnp.float32) / np.sqrt(H + 3)
    m1b = jnp.zeros((64,), jnp.float32)
    m2w = jax.random.normal(ks[8], (64, 32), dtype=jnp.float32) / np.sqrt(64.0)
    m2b = jnp.zeros((32,), jnp.float32)
    m3w = jax.random.normal(ks[9], (32, 1), dtype=jnp.float32) / np.sqrt(32.0)
    m3b = jnp.zeros((1,), jnp.float32)
    return {"x": x, "edge_index": edge_index, "batch": batch, "global_features": global_features, "W1": W1, "b1": b1, "W2": W2, "b2": b2, "W3": W3, "b3": b3, "m1w": m1w, "m1b": m1b, "m2w": m2w, "m2b": m2b, "m3w": m3w, "m3b": m3b}


def reference(x, edge_index, batch, global_features, W1, b1, W2, b2, W3, b3, m1w, m1b, m2w, m2b, m3w, m3b):
    h = jax.nn.relu(gcn_conv(x, edge_index, W1, b1))
    h = jax.nn.relu(gcn_conv(h, edge_index, W2, b2))
    h = jax.nn.relu(gcn_conv(h, edge_index, W3, b3))
    sums = jax.ops.segment_sum(h, batch, num_segments=G)
    counts = jax.ops.segment_sum(jnp.ones((h.shape[0],), h.dtype), batch, num_segments=G)
    pooled = sums / jnp.maximum(counts, 1.0)[:, None]
    z = jnp.concatenate([pooled, global_features], axis=1)
    z = jax.nn.relu(z @ m1w + m1b)
    z = jax.nn.relu(z @ m2w + m2b)
    z = z @ m3w + m3b
    return z

if __name__ == "__main__":
    import jax
    _d = setup_inputs()
    print(jax.jit(kernel)(*tuple(_d.values())))

</pallas_src>

<mosaic_0001>
#map = affine_map<(d0, d1) -> (0, 0)>
#map1 = affine_map<(d0, d1) -> (0, 0, 0)>
module attributes {stable_mosaic.version = 14 : i64} {
  func.func @_sc_aggregate_body(%arg0: i32, %arg1: i32, %arg2: memref<10000x128xf32, #tpu.memory_space<hbm>>, %arg3: memref<32x79x128xi32, #tpu.memory_space<hbm>>, %arg4: memref<32x79x128xi32, #tpu.memory_space<hbm>>, %arg5: memref<632x128xf32, #tpu.memory_space<hbm>>, %arg6: memref<2x10112x128xf32, #tpu.memory_space<hbm>>, %arg7: memref<10112x128xf32, #tpu.memory_space<vmem_shared>>, %arg8: memref<79x128xi32, #tpu.memory_space<vmem>>, %arg9: memref<79x128xi32, #tpu.memory_space<vmem>>, %arg10: memref<128x128xf32, #tpu.memory_space<vmem>>) attributes {dimension_semantics = [#tpu.dimension_semantics<core_parallel>, #tpu.dimension_semantics<subcore_parallel>], iteration_bounds = array<i64: 2, 16>, scalar_prefetch = 0 : i64, scratch_operands = 4 : i64, tpu.core_type = #tpu.core_type<sc_vector_subcore>, window_params = [{transform_indices = #map}, {transform_indices = #map1}, {transform_indices = #map1}, {transform_indices = #map}, {transform_indices = #map1}]} {
    %mul3A = arith.constant 2 : i32
    %mul3A_0 = arith.muli %arg1, %mul3A : i32
    %add3A = arith.addi %mul3A_0, %arg0 : i32
    "tpu.region"() ({
      %run_scoped3A = tpu.sem_alloc : memref<!tpu.dma_semaphore, #tpu.memory_space<semaphore_mem>>
      %dma_start3A = arith.constant 0 : i32
      %dma_start3A_12 = arith.constant 0 : i32
      %dma_start3A_13 = tpu.memref_slice %arg3[%add3A, %dma_start3A, %dma_start3A_12] : memref<32x79x128xi32, #tpu.memory_space<hbm>> -> memref<1x79x128xi32, #tpu.memory_space<hbm>>
      %dma_start3A_14 = tpu.memref_squeeze %dma_start3A_13 : memref<1x79x128xi32, #tpu.memory_space<hbm>> -> memref<79x128xi32, #tpu.memory_space<hbm>>
      %dma_start3A_15 = arith.constant 0 : i32
      %dma_start3A_16 = arith.constant 0 : i32
      %dma_start3A_17 = tpu.memref_slice %arg3[%add3A, %dma_start3A_15, %dma_start3A_16] : memref<32x79x128xi32, #tpu.memory_space<hbm>> -> memref<1x79x128xi32, #tpu.memory_space<hbm>>
      %dma_start3A_18 = tpu.memref_squeeze %dma_start3A_17 : memref<1x79x128xi32, #tpu.memory_space<hbm>> -> memref<79x128xi32, #tpu.memory_space<hbm>>
      tpu.enqueue_dma source(%dma_start3A_18 : memref<79x128xi32, #tpu.memory_space<hbm>>) target(%arg8 : memref<79x128xi32, #tpu.memory_space<vmem>>) target_semaphore(%run_scoped3A : memref<!tpu.dma_semaphore, #tpu.memory_space<semaphore_mem>>)
      %dma_wait3A = arith.constant 0 : i32
      %dma_wait3A_19 = arith.constant 0 : i32
      %dma_wait3A_20 = tpu.memref_slice %arg3[%add3A, %dma_wait3A, %dma_wait3A_19] : memref<32x79x128xi32, #tpu.memory_space<hbm>> -> memref<1x79x128xi32, #tpu.memory_space<hbm>>
      %dma_wait3A_21 = tpu.memref_squeeze %dma_wait3A_20 : memref<1x79x128xi32, #tpu.memory_space<hbm>> -> memref<79x128xi32, #tpu.memory_space<hbm>>
      %dma_wait3A_22 = arith.constant 0 : i32
      %dma_wait3A_23 = arith.constant 0 : i32
      %dma_wait3A_24 = tpu.memref_slice %arg3[%add3A, %dma_wait3A_22, %dma_wait3A_23] : memref<32x79x128xi32, #tpu.memory_space<hbm>> -> memref<1x79x128xi32, #tpu.memory_space<hbm>>
      %dma_wait3A_25 = tpu.memref_squeeze %dma_wait3A_24 : memref<1x79x128xi32, #tpu.memory_space<hbm>> -> memref<79x128xi32, #tpu.memory_space<hbm>>
      tpu.wait_dma2 semaphore(%run_scoped3A : memref<!tpu.dma_semaphore, #tpu.memory_space<semaphore_mem>>) src(%dma_wait3A_25 : memref<79x128xi32, #tpu.memory_space<hbm>>) dst(%arg8 : memref<79x128xi32, #tpu.memory_space<vmem>>)
      tpu.yield
    }) : () -> ()
    "tpu.region"() ({
      %run_scoped3A = tpu.sem_alloc : memref<!tpu.dma_semaphore, #tpu.memory_space<semaphore_mem>>
      %dma_start3A = arith.constant 0 : i32
      %dma_start3A_12 = arith.constant 0 : i32
      %dma_start3A_13 = tpu.memref_slice %arg4[%add3A, %dma_start3A, %dma_start3A_12] : memref<32x79x128xi32, #tpu.memory_space<hbm>> -> memref<1x79x128xi32, #tpu.memory_space<hbm>>
      %dma_start3A_14 = tpu.memref_squeeze %dma_start3A_13 : memref<1x79x128xi32, #tpu.memory_space<hbm>> -> memref<79x128xi32, #tpu.memory_space<hbm>>
      %dma_start3A_15 = arith.constant 0 : i32
      %dma_start3A_16 = arith.constant 0 : i32
      %dma_start3A_17 = tpu.memref_slice %arg4[%add3A, %dma_start3A_15, %dma_start3A_16] : memref<32x79x128xi32, #tpu.memory_space<hbm>> -> memref<1x79x128xi32, #tpu.memory_space<hbm>>
      %dma_start3A_18 = tpu.memref_squeeze %dma_start3A_17 : memref<1x79x128xi32, #tpu.memory_space<hbm>> -> memref<79x128xi32, #tpu.memory_space<hbm>>
      tpu.enqueue_dma source(%dma_start3A_18 : memref<79x128xi32, #tpu.memory_space<hbm>>) target(%arg9 : memref<79x128xi32, #tpu.memory_space<vmem>>) target_semaphore(%run_scoped3A : memref<!tpu.dma_semaphore, #tpu.memory_space<semaphore_mem>>)
      %dma_wait3A = arith.constant 0 : i32
      %dma_wait3A_19 = arith.constant 0 : i32
      %dma_wait3A_20 = tpu.memref_slice %arg4[%add3A, %dma_wait3A, %dma_wait3A_19] : memref<32x79x128xi32, #tpu.memory_space<hbm>> -> memref<1x79x128xi32, #tpu.memory_space<hbm>>
      %dma_wait3A_21 = tpu.memref_squeeze %dma_wait3A_20 : memref<1x79x128xi32, #tpu.memory_space<hbm>> -> memref<79x128xi32, #tpu.memory_space<hbm>>
      %dma_wait3A_22 = arith.constant 0 : i32
      %dma_wait3A_23 = arith.constant 0 : i32
      %dma_wait3A_24 = tpu.memref_slice %arg4[%add3A, %dma_wait3A_22, %dma_wait3A_23] : memref<32x79x128xi32, #tpu.memory_space<hbm>> -> memref<1x79x128xi32, #tpu.memory_space<hbm>>
      %dma_wait3A_25 = tpu.memref_squeeze %dma_wait3A_24 : memref<1x79x128xi32, #tpu.memory_space<hbm>> -> memref<79x128xi32, #tpu.memory_space<hbm>>
      tpu.wait_dma2 semaphore(%run_scoped3A : memref<!tpu.dma_semaphore, #tpu.memory_space<semaphore_mem>>) src(%dma_wait3A_25 : memref<79x128xi32, #tpu.memory_space<hbm>>) dst(%arg9 : memref<79x128xi32, #tpu.memory_space<vmem>>)
      tpu.yield
    }) : () -> ()
    %mul3A_1 = arith.constant 632 : i32
    %mul3A_2 = arith.muli %arg1, %mul3A_1 : i32
    "tpu.region"() ({
      %run_scoped3A = tpu.sem_alloc : memref<!tpu.dma_semaphore, #tpu.memory_space<semaphore_mem>>
      %dma_start3A = arith.constant 0 : i32
      %dma_start3A_12 = tpu.memref_slice %arg7[%mul3A_2, %dma_start3A] : memref<10112x128xf32, #tpu.memory_space<vmem_shared>> -> memref<632x128xf32, #tpu.memory_space<vmem_shared>>
      tpu.enqueue_dma source(%arg5 : memref<632x128xf32, #tpu.memory_space<hbm>>) target(%dma_start3A_12 : memref<632x128xf32, #tpu.memory_space<vmem_shared>>) target_semaphore(%run_scoped3A : memref<!tpu.dma_semaphore, #tpu.memory_space<semaphore_mem>>)
      %dma_wait3A = arith.constant 0 : i32
      %dma_wait3A_13 = tpu.memref_slice %arg7[%mul3A_2, %dma_wait3A] : memref<10112x128xf32, #tpu.memory_space<vmem_shared>> -> memref<632x128xf32, #tpu.memory_space<vmem_shared>>
      tpu.wait_dma2 semaphore(%run_scoped3A : memref<!tpu.dma_semaphore, #tpu.memory_space<semaphore_mem>>) src(%arg5 : memref<632x128xf32, #tpu.memory_space<hbm>>) dst(%dma_wait3A_13 : memref<632x128xf32, #tpu.memory_space<vmem_shared>>)
      tpu.yield
    }) : () -> ()
    %barrier3A = arith.constant 0 : index
    tpu.barrier barrier_id(%barrier3A)
    %scan3A = arith.constant 0 : i32
    %scan3A_3 = arith.constant 79 : i32
    %scan3A_4 = arith.addi %scan3A, %scan3A_3 : i32
    %scan3A_5 = arith.constant 1 : i32
    scf.for %scan3A_12 = %scan3A to %scan3A_4 step %scan3A_5  : i32 {
      "tpu.region"() ({
        %run_scoped3A = tpu.sem_alloc : memref<!tpu.dma_semaphore, #tpu.memory_space<semaphore_mem>>
        %dma_start3A = arith.constant 0 : i32
        %dma_start3A_13 = tpu.memref_slice %arg8[%scan3A_12, %dma_start3A] : memref<79x128xi32, #tpu.memory_space<vmem>> -> memref<1x128xi32, #tpu.memory_space<vmem>>
        %dma_start3A_14 = tpu.memref_squeeze %dma_start3A_13 : memref<1x128xi32, #tpu.memory_space<vmem>> -> memref<128xi32, #tpu.memory_space<vmem>>
        %dma_start3A_15 = arith.constant 0 : i32
        %dma_start3A_16 = arith.constant 0 : i32
        %dma_start3A_17 = tpu.memref_slice %arg2[%dma_start3A_15, %dma_start3A_16] : memref<10000x128xf32, #tpu.memory_space<hbm>> -> memref<10000x128xf32, #tpu.memory_space<hbm>>
        tpu.enqueue_indirect_dma source(%dma_start3A_17 : memref<10000x128xf32, #tpu.memory_space<hbm>>) target(%arg10 : memref<128x128xf32, #tpu.memory_space<vmem>>) offsets(%dma_start3A_14 : memref<128xi32, #tpu.memory_space<vmem>>) semaphore(%run_scoped3A : memref<!tpu.dma_semaphore, #tpu.memory_space<semaphore_mem>>)
        %dma_wait3A = arith.constant 0 : i32
        %dma_wait3A_18 = tpu.memref_slice %arg8[%scan3A_12, %dma_wait3A] : memref<79x128xi32, #tpu.memory_space<vmem>> -> memref<1x128xi32, #tpu.memory_space<vmem>>
        %dma_wait3A_19 = tpu.memref_squeeze %dma_wait3A_18 : memref<1x128xi32, #tpu.memory_space<vmem>> -> memref<128xi32, #tpu.memory_space<vmem>>
        %dma_wait3A_20 = arith.constant 0 : i32
        %dma_wait3A_21 = arith.constant 0 : i32
        %dma_wait3A_22 = tpu.memref_slice %arg2[%dma_wait3A_20, %dma_wait3A_21] : memref<10000x128xf32, #tpu.memory_space<hbm>> -> memref<10000x128xf32, #tpu.memory_space<hbm>>
        tpu.wait_indirect_dma semaphore(%run_scoped3A : memref<!tpu.dma_semaphore, #tpu.memory_space<semaphore_mem>>) src(%dma_wait3A_22 : memref<10000x128xf32, #tpu.memory_space<hbm>>) dst(%arg10 : memref<128x128xf32, #tpu.memory_space<vmem>>)
        tpu.yield
      }) : () -> ()
      "tpu.region"() ({
        %run_scoped3A = tpu.sem_alloc : memref<!tpu.dma_semaphore, #tpu.memory_space<semaphore_mem>>
        %dma_start3A = arith.constant 0 : i32
        %dma_start3A_13 = tpu.memref_slice %arg9[%scan3A_12, %dma_start3A] : memref<79x128xi32, #tpu.memory_space<vmem>> -> memref<1x128xi32, #tpu.memory_space<vmem>>
        %dma_start3A_14 = tpu.memref_squeeze %dma_start3A_13 : memref<1x128xi32, #tpu.memory_space<vmem>> -> memref<128xi32, #tpu.memory_space<vmem>>
        %dma_start3A_15 = arith.constant 0 : i32
        %dma_start3A_16 = arith.constant 0 : i32
        %dma_start3A_17 = tpu.memref_slice %arg7[%dma_start3A_15, %dma_start3A_16] : memref<10112x128xf32, #tpu.memory_space<vmem_shared>> -> memref<10112x128xf32, #tpu.memory_space<vmem_shared>>
        tpu.enqueue_indirect_dma source(%arg10 : memref<128x128xf32, #tpu.memory_space<vmem>>) target(%dma_start3A_17 : memref<10112x128xf32, #tpu.memory_space<vmem_shared>>) offsets(%dma_start3A_14 : memref<128xi32, #tpu.memory_space<vmem>>) semaphore(%run_scoped3A : memref<!tpu.dma_semaphore, #tpu.memory_space<semaphore_mem>>) {add = true}
        %dma_wait3A = arith.constant 0 : i32
        %dma_wait3A_18 = tpu.memref_slice %arg9[%scan3A_12, %dma_wait3A] : memref<79x128xi32, #tpu.memory_space<vmem>> -> memref<1x128xi32, #tpu.memory_space<vmem>>
        %dma_wait3A_19 = tpu.memref_squeeze %dma_wait3A_18 : memref<1x128xi32, #tpu.memory_space<vmem>> -> memref<128xi32, #tpu.memory_space<vmem>>
        %dma_wait3A_20 = arith.constant 0 : i32
        %dma_wait3A_21 = arith.constant 0 : i32
        %dma_wait3A_22 = tpu.memref_slice %arg7[%dma_wait3A_20, %dma_wait3A_21] : memref<10112x128xf32, #tpu.memory_space<vmem_shared>> -> memref<10112x128xf32, #tpu.memory_space<vmem_shared>>
        tpu.wait_indirect_dma semaphore(%run_scoped3A : memref<!tpu.dma_semaphore, #tpu.memory_space<semaphore_mem>>) src(%arg10 : memref<128x128xf32, #tpu.memory_space<vmem>>) dst(%dma_wait3A_22 : memref<10112x128xf32, #tpu.memory_space<vmem_shared>>)
        tpu.yield
      }) : () -> ()
    }
    %scan3A_6 = arith.constant 79 : i32
    %barrier3A_7 = arith.constant 0 : index
    tpu.barrier barrier_id(%barrier3A_7)
    %mul3A_8 = arith.constant 632 : i32
    %mul3A_9 = arith.muli %arg1, %mul3A_8 : i32
    %mul3A_10 = arith.constant 632 : i32
    %mul3A_11 = arith.muli %arg1, %mul3A_10 : i32
    "tpu.region"() ({
      %run_scoped3A = tpu.sem_alloc : memref<!tpu.dma_semaphore, #tpu.memory_space<semaphore_mem>>
      %dma_start3A = arith.constant 0 : i32
      %dma_start3A_12 = tpu.memref_slice %arg6[%arg0, %mul3A_11, %dma_start3A] : memref<2x10112x128xf32, #tpu.memory_space<hbm>> -> memref<1x632x128xf32, #tpu.memory_space<hbm>>
      %dma_start3A_13 = tpu.memref_squeeze %dma_start3A_12 : memref<1x632x128xf32, #tpu.memory_space<hbm>> -> memref<632x128xf32, #tpu.memory_space<hbm>>
      %dma_start3A_14 = arith.constant 0 : i32
      %dma_start3A_15 = tpu.memref_slice %arg7[%mul3A_9, %dma_start3A_14] : memref<10112x128xf32, #tpu.memory_space<vmem_shared>> -> memref<632x128xf32, #tpu.memory_space<vmem_shared>>
      tpu.enqueue_dma source(%dma_start3A_15 : memref<632x128xf32, #tpu.memory_space<vmem_shared>>) target(%dma_start3A_13 : memref<632x128xf32, #tpu.memory_space<hbm>>) target_semaphore(%run_scoped3A : memref<!tpu.dma_semaphore, #tpu.memory_space<semaphore_mem>>)
      %dma_wait3A = arith.constant 0 : i32
      %dma_wait3A_16 = tpu.memref_slice %arg6[%arg0, %mul3A_11, %dma_wait3A] : memref<2x10112x128xf32, #tpu.memory_space<hbm>> -> memref<1x632x128xf32, #tpu.memory_space<hbm>>
      %dma_wait3A_17 = tpu.memref_squeeze %dma_wait3A_16 : memref<1x632x128xf32, #tpu.memory_space<hbm>> -> memref<632x128xf32, #tpu.memory_space<hbm>>
      %dma_wait3A_18 = arith.constant 0 : i32
      %dma_wait3A_19 = tpu.memref_slice %arg7[%mul3A_9, %dma_wait3A_18] : memref<10112x128xf32, #tpu.memory_space<vmem_shared>> -> memref<632x128xf32, #tpu.memory_space<vmem_shared>>
      tpu.wait_dma2 semaphore(%run_scoped3A : memref<!tpu.dma_semaphore, #tpu.memory_space<semaphore_mem>>) src(%dma_wait3A_19 : memref<632x128xf32, #tpu.memory_space<vmem_shared>>) dst(%dma_wait3A_17 : memref<632x128xf32, #tpu.memory_space<hbm>>)
      tpu.yield
    }) : () -> ()
    return
  }
}

#map = affine_map<(d0, d1) -> (0, 0)>
#map1 = affine_map<(d0, d1) -> (0, 0, 0)>
module attributes {stable_mosaic.version = 14 : i64} {
  func.func @_sc_aggregate_body(%arg0: i32, %arg1: i32, %arg2: memref<10000x128xf32, #tpu.memory_space<hbm>>, %arg3: memref<32x79x128xi32, #tpu.memory_space<hbm>>, %arg4: memref<32x79x128xi32, #tpu.memory_space<hbm>>, %arg5: memref<632x128xf32, #tpu.memory_space<hbm>>, %arg6: memref<2x10112x128xf32, #tpu.memory_space<hbm>>, %arg7: memref<10112x128xf32, #tpu.memory_space<vmem_shared>>, %arg8: memref<79x128xi32, #tpu.memory_space<vmem>>, %arg9: memref<79x128xi32, #tpu.memory_space<vmem>>, %arg10: memref<128x128xf32, #tpu.memory_space<vmem>>) attributes {dimension_semantics = [#tpu.dimension_semantics<core_parallel>, #tpu.dimension_semantics<subcore_parallel>], iteration_bounds = array<i64: 2, 16>, scalar_prefetch = 0 : i64, scratch_operands = 4 : i64, tpu.core_type = #tpu.core_type<sc_vector_subcore>, window_params = [{transform_indices = #map}, {transform_indices = #map1}, {transform_indices = #map1}, {transform_indices = #map}, {transform_indices = #map1}]} {
    %mul3A = arith.constant 2 : i32
    %mul3A_0 = arith.muli %arg1, %mul3A : i32
    %add3A = arith.addi %mul3A_0, %arg0 : i32
    "tpu.region"() ({
      %run_scoped3A = tpu.sem_alloc : memref<!tpu.dma_semaphore, #tpu.memory_space<semaphore_mem>>
      %dma_start3A = arith.constant 0 : i32
      %dma_start3A_12 = arith.constant 0 : i32
      %dma_start3A_13 = tpu.memref_slice %arg3[%add3A, %dma_start3A, %dma_start3A_12] : memref<32x79x128xi32, #tpu.memory_space<hbm>> -> memref<1x79x128xi32, #tpu.memory_space<hbm>>
      %dma_start3A_14 = tpu.memref_squeeze %dma_start3A_13 : memref<1x79x128xi32, #tpu.memory_space<hbm>> -> memref<79x128xi32, #tpu.memory_space<hbm>>
      %dma_start3A_15 = arith.constant 0 : i32
      %dma_start3A_16 = arith.constant 0 : i32
      %dma_start3A_17 = tpu.memref_slice %arg3[%add3A, %dma_start3A_15, %dma_start3A_16] : memref<32x79x128xi32, #tpu.memory_space<hbm>> -> memref<1x79x128xi32, #tpu.memory_space<hbm>>
      %dma_start3A_18 = tpu.memref_squeeze %dma_start3A_17 : memref<1x79x128xi32, #tpu.memory_space<hbm>> -> memref<79x128xi32, #tpu.memory_space<hbm>>
      tpu.enqueue_dma source(%dma_start3A_18 : memref<79x128xi32, #tpu.memory_space<hbm>>) target(%arg8 : memref<79x128xi32, #tpu.memory_space<vmem>>) target_semaphore(%run_scoped3A : memref<!tpu.dma_semaphore, #tpu.memory_space<semaphore_mem>>)
      %dma_wait3A = arith.constant 0 : i32
      %dma_wait3A_19 = arith.constant 0 : i32
      %dma_wait3A_20 = tpu.memref_slice %arg3[%add3A, %dma_wait3A, %dma_wait3A_19] : memref<32x79x128xi32, #tpu.memory_space<hbm>> -> memref<1x79x128xi32, #tpu.memory_space<hbm>>
      %dma_wait3A_21 = tpu.memref_squeeze %dma_wait3A_20 : memref<1x79x128xi32, #tpu.memory_space<hbm>> -> memref<79x128xi32, #tpu.memory_space<hbm>>
      %dma_wait3A_22 = arith.constant 0 : i32
      %dma_wait3A_23 = arith.constant 0 : i32
      %dma_wait3A_24 = tpu.memref_slice %arg3[%add3A, %dma_wait3A_22, %dma_wait3A_23] : memref<32x79x128xi32, #tpu.memory_space<hbm>> -> memref<1x79x128xi32, #tpu.memory_space<hbm>>
      %dma_wait3A_25 = tpu.memref_squeeze %dma_wait3A_24 : memref<1x79x128xi32, #tpu.memory_space<hbm>> -> memref<79x128xi32, #tpu.memory_space<hbm>>
      tpu.wait_dma2 semaphore(%run_scoped3A : memref<!tpu.dma_semaphore, #tpu.memory_space<semaphore_mem>>) src(%dma_wait3A_25 : memref<79x128xi32, #tpu.memory_space<hbm>>) dst(%arg8 : memref<79x128xi32, #tpu.memory_space<vmem>>)
      tpu.yield
    }) : () -> ()
    "tpu.region"() ({
      %run_scoped3A = tpu.sem_alloc : memref<!tpu.dma_semaphore, #tpu.memory_space<semaphore_mem>>
      %dma_start3A = arith.constant 0 : i32
      %dma_start3A_12 = arith.constant 0 : i32
      %dma_start3A_13 = tpu.memref_slice %arg4[%add3A, %dma_start3A, %dma_start3A_12] : memref<32x79x128xi32, #tpu.memory_space<hbm>> -> memref<1x79x128xi32, #tpu.memory_space<hbm>>
      %dma_start3A_14 = tpu.memref_squeeze %dma_start3A_13 : memref<1x79x128xi32, #tpu.memory_space<hbm>> -> memref<79x128xi32, #tpu.memory_space<hbm>>
      %dma_start3A_15 = arith.constant 0 : i32
      %dma_start3A_16 = arith.constant 0 : i32
      %dma_start3A_17 = tpu.memref_slice %arg4[%add3A, %dma_start3A_15, %dma_start3A_16] : memref<32x79x128xi32, #tpu.memory_space<hbm>> -> memref<1x79x128xi32, #tpu.memory_space<hbm>>
      %dma_start3A_18 = tpu.memref_squeeze %dma_start3A_17 : memref<1x79x128xi32, #tpu.memory_space<hbm>> -> memref<79x128xi32, #tpu.memory_space<hbm>>
      tpu.enqueue_dma source(%dma_start3A_18 : memref<79x128xi32, #tpu.memory_space<hbm>>) target(%arg9 : memref<79x128xi32, #tpu.memory_space<vmem>>) target_semaphore(%run_scoped3A : memref<!tpu.dma_semaphore, #tpu.memory_space<semaphore_mem>>)
      %dma_wait3A = arith.constant 0 : i32
      %dma_wait3A_19 = arith.constant 0 : i32
      %dma_wait3A_20 = tpu.memref_slice %arg4[%add3A, %dma_wait3A, %dma_wait3A_19] : memref<32x79x128xi32, #tpu.memory_space<hbm>> -> memref<1x79x128xi32, #tpu.memory_space<hbm>>
      %dma_wait3A_21 = tpu.memref_squeeze %dma_wait3A_20 : memref<1x79x128xi32, #tpu.memory_space<hbm>> -> memref<79x128xi32, #tpu.memory_space<hbm>>
      %dma_wait3A_22 = arith.constant 0 : i32
      %dma_wait3A_23 = arith.constant 0 : i32
      %dma_wait3A_24 = tpu.memref_slice %arg4[%add3A, %dma_wait3A_22, %dma_wait3A_23] : memref<32x79x128xi32, #tpu.memory_space<hbm>> -> memref<1x79x128xi32, #tpu.memory_space<hbm>>
      %dma_wait3A_25 = tpu.memref_squeeze %dma_wait3A_24 : memref<1x79x128xi32, #tpu.memory_space<hbm>> -> memref<79x128xi32, #tpu.memory_space<hbm>>
      tpu.wait_dma2 semaphore(%run_scoped3A : memref<!tpu.dma_semaphore, #tpu.memory_space<semaphore_mem>>) src(%dma_wait3A_25 : memref<79x128xi32, #tpu.memory_space<hbm>>) dst(%arg9 : memref<79x128xi32, #tpu.memory_space<vmem>>)
      tpu.yield
    }) : () -> ()
    %mul3A_1 = arith.constant 632 : i32
    %mul3A_2 = arith.muli %arg1, %mul3A_1 : i32
    "tpu.region"() ({
      %run_scoped3A = tpu.sem_alloc : memref<!tpu.dma_semaphore, #tpu.memory_space<semaphore_mem>>
      %dma_start3A = arith.constant 0 : i32
      %dma_start3A_12 = tpu.memref_slice %arg7[%mul3A_2, %dma_start3A] : memref<10112x128xf32, #tpu.memory_space<vmem_shared>> -> memref<632x128xf32, #tpu.memory_space<vmem_shared>>
      tpu.enqueue_dma source(%arg5 : memref<632x128xf32, #tpu.memory_space<hbm>>) target(%dma_start3A_12 : memref<632x128xf32, #tpu.memory_space<vmem_shared>>) target_semaphore(%run_scoped3A : memref<!tpu.dma_semaphore, #tpu.memory_space<semaphore_mem>>)
      %dma_wait3A = arith.constant 0 : i32
      %dma_wait3A_13 = tpu.memref_slice %arg7[%mul3A_2, %dma_wait3A] : memref<10112x128xf32, #tpu.memory_space<vmem_shared>> -> memref<632x128xf32, #tpu.memory_space<vmem_shared>>
      tpu.wait_dma2 semaphore(%run_scoped3A : memref<!tpu.dma_semaphore, #tpu.memory_space<semaphore_mem>>) src(%arg5 : memref<632x128xf32, #tpu.memory_space<hbm>>) dst(%dma_wait3A_13 : memref<632x128xf32, #tpu.memory_space<vmem_shared>>)
      tpu.yield
    }) : () -> ()
    %barrier3A = arith.constant 0 : index
    tpu.barrier barrier_id(%barrier3A)
    %scan3A = arith.constant 0 : i32
    %scan3A_3 = arith.constant 79 : i32
    %scan3A_4 = arith.addi %scan3A, %scan3A_3 : i32
    %scan3A_5 = arith.constant 1 : i32
    scf.for %scan3A_12 = %scan3A to %scan3A_4 step %scan3A_5  : i32 {
      "tpu.region"() ({
        %run_scoped3A = tpu.sem_alloc : memref<!tpu.dma_semaphore, #tpu.memory_space<semaphore_mem>>
        %dma_start3A = arith.constant 0 : i32
        %dma_start3A_13 = tpu.memref_slice %arg8[%scan3A_12, %dma_start3A] : memref<79x128xi32, #tpu.memory_space<vmem>> -> memref<1x128xi32, #tpu.memory_space<vmem>>
        %dma_start3A_14 = tpu.memref_squeeze %dma_start3A_13 : memref<1x128xi32, #tpu.memory_space<vmem>> -> memref<128xi32, #tpu.memory_space<vmem>>
        %dma_start3A_15 = arith.constant 0 : i32
        %dma_start3A_16 = arith.constant 0 : i32
        %dma_start3A_17 = tpu.memref_slice %arg2[%dma_start3A_15, %dma_start3A_16] : memref<10000x128xf32, #tpu.memory_space<hbm>> -> memref<10000x128xf32, #tpu.memory_space<hbm>>
        tpu.enqueue_indirect_dma source(%dma_start3A_17 : memref<10000x128xf32, #tpu.memory_space<hbm>>) target(%arg10 : memref<128x128xf32, #tpu.memory_space<vmem>>) offsets(%dma_start3A_14 : memref<128xi32, #tpu.memory_space<vmem>>) semaphore(%run_scoped3A : memref<!tpu.dma_semaphore, #tpu.memory_space<semaphore_mem>>)
        %dma_wait3A = arith.constant 0 : i32
        %dma_wait3A_18 = tpu.memref_slice %arg8[%scan3A_12, %dma_wait3A] : memref<79x128xi32, #tpu.memory_space<vmem>> -> memref<1x128xi32, #tpu.memory_space<vmem>>
        %dma_wait3A_19 = tpu.memref_squeeze %dma_wait3A_18 : memref<1x128xi32, #tpu.memory_space<vmem>> -> memref<128xi32, #tpu.memory_space<vmem>>
        %dma_wait3A_20 = arith.constant 0 : i32
        %dma_wait3A_21 = arith.constant 0 : i32
        %dma_wait3A_22 = tpu.memref_slice %arg2[%dma_wait3A_20, %dma_wait3A_21] : memref<10000x128xf32, #tpu.memory_space<hbm>> -> memref<10000x128xf32, #tpu.memory_space<hbm>>
        tpu.wait_indirect_dma semaphore(%run_scoped3A : memref<!tpu.dma_semaphore, #tpu.memory_space<semaphore_mem>>) src(%dma_wait3A_22 : memref<10000x128xf32, #tpu.memory_space<hbm>>) dst(%arg10 : memref<128x128xf32, #tpu.memory_space<vmem>>)
        tpu.yield
      }) : () -> ()
      "tpu.region"() ({
        %run_scoped3A = tpu.sem_alloc : memref<!tpu.dma_semaphore, #tpu.memory_space<semaphore_mem>>
        %dma_start3A = arith.constant 0 : i32
        %dma_start3A_13 = tpu.memref_slice %arg9[%scan3A_12, %dma_start3A] : memref<79x128xi32, #tpu.memory_space<vmem>> -> memref<1x128xi32, #tpu.memory_space<vmem>>
        %dma_start3A_14 = tpu.memref_squeeze %dma_start3A_13 : memref<1x128xi32, #tpu.memory_space<vmem>> -> memref<128xi32, #tpu.memory_space<vmem>>
        %dma_start3A_15 = arith.constant 0 : i32
        %dma_start3A_16 = arith.constant 0 : i32
        %dma_start3A_17 = tpu.memref_slice %arg7[%dma_start3A_15, %dma_start3A_16] : memref<10112x128xf32, #tpu.memory_space<vmem_shared>> -> memref<10112x128xf32, #tpu.memory_space<vmem_shared>>
        tpu.enqueue_indirect_dma source(%arg10 : memref<128x128xf32, #tpu.memory_space<vmem>>) target(%dma_start3A_17 : memref<10112x128xf32, #tpu.memory_space<vmem_shared>>) offsets(%dma_start3A_14 : memref<128xi32, #tpu.memory_space<vmem>>) semaphore(%run_scoped3A : memref<!tpu.dma_semaphore, #tpu.memory_space<semaphore_mem>>) {add = true}
        %dma_wait3A = arith.constant 0 : i32
        %dma_wait3A_18 = tpu.memref_slice %arg9[%scan3A_12, %dma_wait3A] : memref<79x128xi32, #tpu.memory_space<vmem>> -> memref<1x128xi32, #tpu.memory_space<vmem>>
        %dma_wait3A_19 = tpu.memref_squeeze %dma_wait3A_18 : memref<1x128xi32, #tpu.memory_space<vmem>> -> memref<128xi32, #tpu.memory_space<vmem>>
        %dma_wait3A_20 = arith.constant 0 : i32
        %dma_wait3A_21 = arith.constant 0 : i32
        %dma_wait3A_22 = tpu.memref_slice %arg7[%dma_wait3A_20, %dma_wait3A_21] : memref<10112x128xf32, #tpu.memory_space<vmem_shared>> -> memref<10112x128xf32, #tpu.memory_space<vmem_shared>>
        tpu.wait_indirect_dma semaphore(%run_scoped3A : memref<!tpu.dma_semaphore, #tpu.memory_space<semaphore_mem>>) src(%arg10 : memref<128x128xf32, #tpu.memory_space<vmem>>) dst(%dma_wait3A_22 : memref<10112x128xf32, #tpu.memory_space<vmem_shared>>)
        tpu.yield
      }) : () -> ()
    }
    %scan3A_6 = arith.constant 79 : i32
    %barrier3A_7 = arith.constant 0 : index
    tpu.barrier barrier_id(%barrier3A_7)
    %mul3A_8 = arith.constant 632 : i32
    %mul3A_9 = arith.muli %arg1, %mul3A_8 : i32
    %mul3A_10 = arith.constant 632 : i32
    %mul3A_11 = arith.muli %arg1, %mul3A_10 : i32
    "tpu.region"() ({
      %run_scoped3A = tpu.sem_alloc : memref<!tpu.dma_semaphore, #tpu.memory_space<semaphore_mem>>
      %dma_start3A = arith.constant 0 : i32
      %dma_start3A_12 = tpu.memref_slice %arg6[%arg0, %mul3A_11, %dma_start3A] : memref<2x10112x128xf32, #tpu.memory_space<hbm>> -> memref<1x632x128xf32, #tpu.memory_space<hbm>>
      %dma_start3A_13 = tpu.memref_squeeze %dma_start3A_12 : memref<1x632x128xf32, #tpu.memory_space<hbm>> -> memref<632x128xf32, #tpu.memory_space<hbm>>
      %dma_start3A_14 = arith.constant 0 : i32
      %dma_start3A_15 = tpu.memref_slice %arg7[%mul3A_9, %dma_start3A_14] : memref<10112x128xf32, #tpu.memory_space<vmem_shared>> -> memref<632x128xf32, #tpu.memory_space<vmem_shared>>
      tpu.enqueue_dma source(%dma_start3A_15 : memref<632x128xf32, #tpu.memory_space<vmem_shared>>) target(%dma_start3A_13 : memref<632x128xf32, #tpu.memory_space<hbm>>) target_semaphore(%run_scoped3A : memref<!tpu.dma_semaphore, #tpu.memory_space<semaphore_mem>>)
      %dma_wait3A = arith.constant 0 : i32
      %dma_wait3A_16 = tpu.memref_slice %arg6[%arg0, %mul3A_11, %dma_wait3A] : memref<2x10112x128xf32, #tpu.memory_space<hbm>> -> memref<1x632x128xf32, #tpu.memory_space<hbm>>
      %dma_wait3A_17 = tpu.memref_squeeze %dma_wait3A_16 : memref<1x632x128xf32, #tpu.memory_space<hbm>> -> memref<632x128xf32, #tpu.memory_space<hbm>>
      %dma_wait3A_18 = arith.constant 0 : i32
      %dma_wait3A_19 = tpu.memref_slice %arg7[%mul3A_9, %dma_wait3A_18] : memref<10112x128xf32, #tpu.memory_space<vmem_shared>> -> memref<632x128xf32, #tpu.memory_space<vmem_shared>>
      tpu.wait_dma2 semaphore(%run_scoped3A : memref<!tpu.dma_semaphore, #tpu.memory_space<semaphore_mem>>) src(%dma_wait3A_19 : memref<632x128xf32, #tpu.memory_space<vmem_shared>>) dst(%dma_wait3A_17 : memref<632x128xf32, #tpu.memory_space<hbm>>)
      tpu.yield
    }) : () -> ()
    return
  }
}

#map = affine_map<(d0, d1) -> (0, 0, 0)>
#map1 = affine_map<(d0, d1) -> (0, 0)>
module attributes {stable_mosaic.version = 14 : i64} {
  func.func @_sc_degree_body(%arg0: i32, %arg1: i32, %arg2: memref<32x79x128xi32, #tpu.memory_space<hbm>>, %arg3: memref<128x128xf32, #tpu.memory_space<hbm>>, %arg4: memref<632x128xf32, #tpu.memory_space<hbm>>, %arg5: memref<2x10112x128xf32, #tpu.memory_space<hbm>>, %arg6: memref<10112x128xf32, #tpu.memory_space<vmem_shared>>, %arg7: memref<79x128xi32, #tpu.memory_space<vmem>>, %arg8: memref<128x128xf32, #tpu.memory_space<vmem>>) attributes {dimension_semantics = [#tpu.dimension_semantics<core_parallel>, #tpu.dimension_semantics<subcore_parallel>], iteration_bounds = array<i64: 2, 16>, scalar_prefetch = 0 : i64, scratch_operands = 3 : i64, tpu.core_type = #tpu.core_type<sc_vector_subcore>, window_params = [{transform_indices = #map}, {transform_indices = #map1}, {transform_indices = #map1}, {transform_indices = #map}]} {
    %mul3A = arith.constant 2 : i32
    %mul3A_0 = arith.muli %arg1, %mul3A : i32
    %add3A = arith.addi %mul3A_0, %arg0 : i32
    "tpu.region"() ({
      %run_scoped3A = tpu.sem_alloc : memref<!tpu.dma_semaphore, #tpu.memory_space<semaphore_mem>>
      %dma_start3A = arith.constant 0 : i32
      %dma_start3A_12 = arith.constant 0 : i32
      %dma_start3A_13 = tpu.memref_slice %arg2[%add3A, %dma_start3A, %dma_start3A_12] : memref<32x79x128xi32, #tpu.memory_space<hbm>> -> memref<1x79x128xi32, #tpu.memory_space<hbm>>
      %dma_start3A_14 = tpu.memref_squeeze %dma_start3A_13 : memref<1x79x128xi32, #tpu.memory_space<hbm>> -> memref<79x128xi32, #tpu.memory_space<hbm>>
      %dma_start3A_15 = arith.constant 0 : i32
      %dma_start3A_16 = arith.constant 0 : i32
      %dma_start3A_17 = tpu.memref_slice %arg2[%add3A, %dma_start3A_15, %dma_start3A_16] : memref<32x79x128xi32, #tpu.memory_space<hbm>> -> memref<1x79x128xi32, #tpu.memory_space<hbm>>
      %dma_start3A_18 = tpu.memref_squeeze %dma_start3A_17 : memref<1x79x128xi32, #tpu.memory_space<hbm>> -> memref<79x128xi32, #tpu.memory_space<hbm>>
      tpu.enqueue_dma source(%dma_start3A_18 : memref<79x128xi32, #tpu.memory_space<hbm>>) target(%arg7 : memref<79x128xi32, #tpu.memory_space<vmem>>) target_semaphore(%run_scoped3A : memref<!tpu.dma_semaphore, #tpu.memory_space<semaphore_mem>>)
      %dma_wait3A = arith.constant 0 : i32
      %dma_wait3A_19 = arith.constant 0 : i32
      %dma_wait3A_20 = tpu.memref_slice %arg2[%add3A, %dma_wait3A, %dma_wait3A_19] : memref<32x79x128xi32, #tpu.memory_space<hbm>> -> memref<1x79x128xi32, #tpu.memory_space<hbm>>
      %dma_wait3A_21 = tpu.memref_squeeze %dma_wait3A_20 : memref<1x79x128xi32, #tpu.memory_space<hbm>> -> memref<79x128xi32, #tpu.memory_space<hbm>>
      %dma_wait3A_22 = arith.constant 0 : i32
      %dma_wait3A_23 = arith.constant 0 : i32
      %dma_wait3A_24 = tpu.memref_slice %arg2[%add3A, %dma_wait3A_22, %dma_wait3A_23] : memref<32x79x128xi32, #tpu.memory_space<hbm>> -> memref<1x79x128xi32, #tpu.memory_space<hbm>>
      %dma_wait3A_25 = tpu.memref_squeeze %dma_wait3A_24 : memref<1x79x128xi32, #tpu.memory_space<hbm>> -> memref<79x128xi32, #tpu.memory_space<hbm>>
      tpu.wait_dma2 semaphore(%run_scoped3A : memref<!tpu.dma_semaphore, #tpu.memory_space<semaphore_mem>>) src(%dma_wait3A_25 : memref<79x128xi32, #tpu.memory_space<hbm>>) dst(%arg7 : memref<79x128xi32, #tpu.memory_space<vmem>>)
      tpu.yield
    }) : () -> ()
    "tpu.region"() ({
      %run_scoped3A = tpu.sem_alloc : memref<!tpu.dma_semaphore, #tpu.memory_space<semaphore_mem>>
      tpu.enqueue_dma source(%arg3 : memref<128x128xf32, #tpu.memory_space<hbm>>) target(%arg8 : memref<128x128xf32, #tpu.memory_space<vmem>>) target_semaphore(%run_scoped3A : memref<!tpu.dma_semaphore, #tpu.memory_space<semaphore_mem>>)
      tpu.wait_dma2 semaphore(%run_scoped3A : memref<!tpu.dma_semaphore, #tpu.memory_space<semaphore_mem>>) src(%arg3 : memref<128x128xf32, #tpu.memory_space<hbm>>) dst(%arg8 : memref<128x128xf32, #tpu.memory_space<vmem>>)
      tpu.yield
    }) : () -> ()
    %mul3A_1 = arith.constant 632 : i32
    %mul3A_2 = arith.muli %arg1, %mul3A_1 : i32
    "tpu.region"() ({
      %run_scoped3A = tpu.sem_alloc : memref<!tpu.dma_semaphore, #tpu.memory_space<semaphore_mem>>
      %dma_start3A = arith.constant 0 : i32
      %dma_start3A_12 = tpu.memref_slice %arg6[%mul3A_2, %dma_start3A] : memref<10112x128xf32, #tpu.memory_space<vmem_shared>> -> memref<632x128xf32, #tpu.memory_space<vmem_shared>>
      tpu.enqueue_dma source(%arg4 : memref<632x128xf32, #tpu.memory_space<hbm>>) target(%dma_start3A_12 : memref<632x128xf32, #tpu.memory_space<vmem_shared>>) target_semaphore(%run_scoped3A : memref<!tpu.dma_semaphore, #tpu.memory_space<semaphore_mem>>)
      %dma_wait3A = arith.constant 0 : i32
      %dma_wait3A_13 = tpu.memref_slice %arg6[%mul3A_2, %dma_wait3A] : memref<10112x128xf32, #tpu.memory_space<vmem_shared>> -> memref<632x128xf32, #tpu.memory_space<vmem_shared>>
      tpu.wait_dma2 semaphore(%run_scoped3A : memref<!tpu.dma_semaphore, #tpu.memory_space<semaphore_mem>>) src(%arg4 : memref<632x128xf32, #tpu.memory_space<hbm>>) dst(%dma_wait3A_13 : memref<632x128xf32, #tpu.memory_space<vmem_shared>>)
      tpu.yield
    }) : () -> ()
    %barrier3A = arith.constant 0 : index
    tpu.barrier barrier_id(%barrier3A)
    %scan3A = arith.constant 0 : i32
    %scan3A_3 = arith.constant 79 : i32
    %scan3A_4 = arith.addi %scan3A, %scan3A_3 : i32
    %scan3A_5 = arith.constant 1 : i32
    scf.for %scan3A_12 = %scan3A to %scan3A_4 step %scan3A_5  : i32 {
      "tpu.region"() ({
        %run_scoped3A = tpu.sem_alloc : memref<!tpu.dma_semaphore, #tpu.memory_space<semaphore_mem>>
        %dma_start3A = arith.constant 0 : i32
        %dma_start3A_13 = tpu.memref_slice %arg7[%scan3A_12, %dma_start3A] : memref<79x128xi32, #tpu.memory_space<vmem>> -> memref<1x128xi32, #tpu.memory_space<vmem>>
        %dma_start3A_14 = tpu.memref_squeeze %dma_start3A_13 : memref<1x128xi32, #tpu.memory_space<vmem>> -> memref<128xi32, #tpu.memory_space<vmem>>
        %dma_start3A_15 = arith.constant 0 : i32
        %dma_start3A_16 = arith.constant 0 : i32
        %dma_start3A_17 = tpu.memref_slice %arg6[%dma_start3A_15, %dma_start3A_16] : memref<10112x128xf32, #tpu.memory_space<vmem_shared>> -> memref<10112x128xf32, #tpu.memory_space<vmem_shared>>
        tpu.enqueue_indirect_dma source(%arg8 : memref<128x128xf32, #tpu.memory_space<vmem>>) target(%dma_start3A_17 : memref<10112x128xf32, #tpu.memory_space<vmem_shared>>) offsets(%dma_start3A_14 : memref<128xi32, #tpu.memory_space<vmem>>) semaphore(%run_scoped3A : memref<!tpu.dma_semaphore, #tpu.memory_space<semaphore_mem>>) {add = true}
        %dma_wait3A = arith.constant 0 : i32
        %dma_wait3A_18 = tpu.memref_slice %arg7[%scan3A_12, %dma_wait3A] : memref<79x128xi32, #tpu.memory_space<vmem>> -> memref<1x128xi32, #tpu.memory_space<vmem>>
        %dma_wait3A_19 = tpu.memref_squeeze %dma_wait3A_18 : memref<1x128xi32, #tpu.memory_space<vmem>> -> memref<128xi32, #tpu.memory_space<vmem>>
        %dma_wait3A_20 = arith.constant 0 : i32
        %dma_wait3A_21 = arith.constant 0 : i32
        %dma_wait3A_22 = tpu.memref_slice %arg6[%dma_wait3A_20, %dma_wait3A_21] : memref<10112x128xf32, #tpu.memory_space<vmem_shared>> -> memref<10112x128xf32, #tpu.memory_space<vmem_shared>>
        tpu.wait_indirect_dma semaphore(%run_scoped3A : memref<!tpu.dma_semaphore, #tpu.memory_space<semaphore_mem>>) src(%arg8 : memref<128x128xf32, #tpu.memory_space<vmem>>) dst(%dma_wait3A_22 : memref<10112x128xf32, #tpu.memory_space<vmem_shared>>)
        tpu.yield
      }) : () -> ()
    }
    %scan3A_6 = arith.constant 79 : i32
    %barrier3A_7 = arith.constant 0 : index
    tpu.barrier barrier_id(%barrier3A_7)
    %mul3A_8 = arith.constant 632 : i32
    %mul3A_9 = arith.muli %arg1, %mul3A_8 : i32
    %mul3A_10 = arith.constant 632 : i32
    %mul3A_11 = arith.muli %arg1, %mul3A_10 : i32
    "tpu.region"() ({
      %run_scoped3A = tpu.sem_alloc : memref<!tpu.dma_semaphore, #tpu.memory_space<semaphore_mem>>
      %dma_start3A = arith.constant 0 : i32
      %dma_start3A_12 = tpu.memref_slice %arg5[%arg0, %mul3A_11, %dma_start3A] : memref<2x10112x128xf32, #tpu.memory_space<hbm>> -> memref<1x632x128xf32, #tpu.memory_space<hbm>>
      %dma_start3A_13 = tpu.memref_squeeze %dma_start3A_12 : memref<1x632x128xf32, #tpu.memory_space<hbm>> -> memref<632x128xf32, #tpu.memory_space<hbm>>
      %dma_start3A_14 = arith.constant 0 : i32
      %dma_start3A_15 = tpu.memref_slice %arg6[%mul3A_9, %dma_start3A_14] : memref<10112x128xf32, #tpu.memory_space<vmem_shared>> -> memref<632x128xf32, #tpu.memory_space<vmem_shared>>
      tpu.enqueue_dma source(%dma_start3A_15 : memref<632x128xf32, #tpu.memory_space<vmem_shared>>) target(%dma_start3A_13 : memref<632x128xf32, #tpu.memory_space<hbm>>) target_semaphore(%run_scoped3A : memref<!tpu.dma_semaphore, #tpu.memory_space<semaphore_mem>>)
      %dma_wait3A = arith.constant 0 : i32
      %dma_wait3A_16 = tpu.memref_slice %arg5[%arg0, %mul3A_11, %dma_wait3A] : memref<2x10112x128xf32, #tpu.memory_space<hbm>> -> memref<1x632x128xf32, #tpu.memory_space<hbm>>
      %dma_wait3A_17 = tpu.memref_squeeze %dma_wait3A_16 : memref<1x632x128xf32, #tpu.memory_space<hbm>> -> memref<632x128xf32, #tpu.memory_space<hbm>>
      %dma_wait3A_18 = arith.constant 0 : i32
      %dma_wait3A_19 = tpu.memref_slice %arg6[%mul3A_9, %dma_wait3A_18] : memref<10112x128xf32, #tpu.memory_space<vmem_shared>> -> memref<632x128xf32, #tpu.memory_space<vmem_shared>>
      tpu.wait_dma2 semaphore(%run_scoped3A : memref<!tpu.dma_semaphore, #tpu.memory_space<semaphore_mem>>) src(%dma_wait3A_19 : memref<632x128xf32, #tpu.memory_space<vmem_shared>>) dst(%dma_wait3A_17 : memref<632x128xf32, #tpu.memory_space<hbm>>)
      tpu.yield
    }) : () -> ()
    return
  }
}

#map = affine_map<(d0, d1) -> (0, 0)>
#map1 = affine_map<(d0, d1) -> (0, 0, 0)>
module attributes {stable_mosaic.version = 14 : i64} {
  func.func @_sc_aggregate_body(%arg0: i32, %arg1: i32, %arg2: memref<10000x128xf32, #tpu.memory_space<hbm>>, %arg3: memref<32x79x128xi32, #tpu.memory_space<hbm>>, %arg4: memref<32x79x128xi32, #tpu.memory_space<hbm>>, %arg5: memref<632x128xf32, #tpu.memory_space<hbm>>, %arg6: memref<2x10112x128xf32, #tpu.memory_space<hbm>>, %arg7: memref<10112x128xf32, #tpu.memory_space<vmem_shared>>, %arg8: memref<79x128xi32, #tpu.memory_space<vmem>>, %arg9: memref<79x128xi32, #tpu.memory_space<vmem>>, %arg10: memref<128x128xf32, #tpu.memory_space<vmem>>) attributes {dimension_semantics = [#tpu.dimension_semantics<core_parallel>, #tpu.dimension_semantics<subcore_parallel>], iteration_bounds = array<i64: 2, 16>, scalar_prefetch = 0 : i64, scratch_operands = 4 : i64, tpu.core_type = #tpu.core_type<sc_vector_subcore>, window_params = [{transform_indices = #map}, {transform_indices = #map1}, {transform_indices = #map1}, {transform_indices = #map}, {transform_indices = #map1}]} {
    %mul3A = arith.constant 2 : i32
    %mul3A_0 = arith.muli %arg1, %mul3A : i32
    %add3A = arith.addi %mul3A_0, %arg0 : i32
    "tpu.region"() ({
      %run_scoped3A = tpu.sem_alloc : memref<!tpu.dma_semaphore, #tpu.memory_space<semaphore_mem>>
      %dma_start3A = arith.constant 0 : i32
      %dma_start3A_12 = arith.constant 0 : i32
      %dma_start3A_13 = tpu.memref_slice %arg3[%add3A, %dma_start3A, %dma_start3A_12] : memref<32x79x128xi32, #tpu.memory_space<hbm>> -> memref<1x79x128xi32, #tpu.memory_space<hbm>>
      %dma_start3A_14 = tpu.memref_squeeze %dma_start3A_13 : memref<1x79x128xi32, #tpu.memory_space<hbm>> -> memref<79x128xi32, #tpu.memory_space<hbm>>
      %dma_start3A_15 = arith.constant 0 : i32
      %dma_start3A_16 = arith.constant 0 : i32
      %dma_start3A_17 = tpu.memref_slice %arg3[%add3A, %dma_start3A_15, %dma_start3A_16] : memref<32x79x128xi32, #tpu.memory_space<hbm>> -> memref<1x79x128xi32, #tpu.memory_space<hbm>>
      %dma_start3A_18 = tpu.memref_squeeze %dma_start3A_17 : memref<1x79x128xi32, #tpu.memory_space<hbm>> -> memref<79x128xi32, #tpu.memory_space<hbm>>
      tpu.enqueue_dma source(%dma_start3A_18 : memref<79x128xi32, #tpu.memory_space<hbm>>) target(%arg8 : memref<79x128xi32, #tpu.memory_space<vmem>>) target_semaphore(%run_scoped3A : memref<!tpu.dma_semaphore, #tpu.memory_space<semaphore_mem>>)
      %dma_wait3A = arith.constant 0 : i32
      %dma_wait3A_19 = arith.constant 0 : i32
      %dma_wait3A_20 = tpu.memref_slice %arg3[%add3A, %dma_wait3A, %dma_wait3A_19] : memref<32x79x128xi32, #tpu.memory_space<hbm>> -> memref<1x79x128xi32, #tpu.memory_space<hbm>>
      %dma_wait3A_21 = tpu.memref_squeeze %dma_wait3A_20 : memref<1x79x128xi32, #tpu.memory_space<hbm>> -> memref<79x128xi32, #tpu.memory_space<hbm>>
      %dma_wait3A_22 = arith.constant 0 : i32
      %dma_wait3A_23 = arith.constant 0 : i32
      %dma_wait3A_24 = tpu.memref_slice %arg3[%add3A, %dma_wait3A_22, %dma_wait3A_23] : memref<32x79x128xi32, #tpu.memory_space<hbm>> -> memref<1x79x128xi32, #tpu.memory_space<hbm>>
      %dma_wait3A_25 = tpu.memref_squeeze %dma_wait3A_24 : memref<1x79x128xi32, #tpu.memory_space<hbm>> -> memref<79x128xi32, #tpu.memory_space<hbm>>
      tpu.wait_dma2 semaphore(%run_scoped3A : memref<!tpu.dma_semaphore, #tpu.memory_space<semaphore_mem>>) src(%dma_wait3A_25 : memref<79x128xi32, #tpu.memory_space<hbm>>) dst(%arg8 : memref<79x128xi32, #tpu.memory_space<vmem>>)
      tpu.yield
    }) : () -> ()
    "tpu.region"() ({
      %run_scoped3A = tpu.sem_alloc : memref<!tpu.dma_semaphore, #tpu.memory_space<semaphore_mem>>
      %dma_start3A = arith.constant 0 : i32
      %dma_start3A_12 = arith.constant 0 : i32
      %dma_start3A_13 = tpu.memref_slice %arg4[%add3A, %dma_start3A, %dma_start3A_12] : memref<32x79x128xi32, #tpu.memory_space<hbm>> -> memref<1x79x128xi32, #tpu.memory_space<hbm>>
      %dma_start3A_14 = tpu.memref_squeeze %dma_start3A_13 : memref<1x79x128xi32, #tpu.memory_space<hbm>> -> memref<79x128xi32, #tpu.memory_space<hbm>>
      %dma_start3A_15 = arith.constant 0 : i32
      %dma_start3A_16 = arith.constant 0 : i32
      %dma_start3A_17 = tpu.memref_slice %arg4[%add3A, %dma_start3A_15, %dma_start3A_16] : memref<32x79x128xi32, #tpu.memory_space<hbm>> -> memref<1x79x128xi32, #tpu.memory_space<hbm>>
      %dma_start3A_18 = tpu.memref_squeeze %dma_start3A_17 : memref<1x79x128xi32, #tpu.memory_space<hbm>> -> memref<79x128xi32, #tpu.memory_space<hbm>>
      tpu.enqueue_dma source(%dma_start3A_18 : memref<79x128xi32, #tpu.memory_space<hbm>>) target(%arg9 : memref<79x128xi32, #tpu.memory_space<vmem>>) target_semaphore(%run_scoped3A : memref<!tpu.dma_semaphore, #tpu.memory_space<semaphore_mem>>)
      %dma_wait3A = arith.constant 0 : i32
      %dma_wait3A_19 = arith.constant 0 : i32
      %dma_wait3A_20 = tpu.memref_slice %arg4[%add3A, %dma_wait3A, %dma_wait3A_19] : memref<32x79x128xi32, #tpu.memory_space<hbm>> -> memref<1x79x128xi32, #tpu.memory_space<hbm>>
      %dma_wait3A_21 = tpu.memref_squeeze %dma_wait3A_20 : memref<1x79x128xi32, #tpu.memory_space<hbm>> -> memref<79x128xi32, #tpu.memory_space<hbm>>
      %dma_wait3A_22 = arith.constant 0 : i32
      %dma_wait3A_23 = arith.constant 0 : i32
      %dma_wait3A_24 = tpu.memref_slice %arg4[%add3A, %dma_wait3A_22, %dma_wait3A_23] : memref<32x79x128xi32, #tpu.memory_space<hbm>> -> memref<1x79x128xi32, #tpu.memory_space<hbm>>
      %dma_wait3A_25 = tpu.memref_squeeze %dma_wait3A_24 : memref<1x79x128xi32, #tpu.memory_space<hbm>> -> memref<79x128xi32, #tpu.memory_space<hbm>>
      tpu.wait_dma2 semaphore(%run_scoped3A : memref<!tpu.dma_semaphore, #tpu.memory_space<semaphore_mem>>) src(%dma_wait3A_25 : memref<79x128xi32, #tpu.memory_space<hbm>>) dst(%arg9 : memref<79x128xi32, #tpu.memory_space<vmem>>)
      tpu.yield
    }) : () -> ()
    %mul3A_1 = arith.constant 632 : i32
    %mul3A_2 = arith.muli %arg1, %mul3A_1 : i32
    "tpu.region"() ({
      %run_scoped3A = tpu.sem_alloc : memref<!tpu.dma_semaphore, #tpu.memory_space<semaphore_mem>>
      %dma_start3A = arith.constant 0 : i32
      %dma_start3A_12 = tpu.memref_slice %arg7[%mul3A_2, %dma_start3A] : memref<10112x128xf32, #tpu.memory_space<vmem_shared>> -> memref<632x128xf32, #tpu.memory_space<vmem_shared>>
      tpu.enqueue_dma source(%arg5 : memref<632x128xf32, #tpu.memory_space<hbm>>) target(%dma_start3A_12 : memref<632x128xf32, #tpu.memory_space<vmem_shared>>) target_semaphore(%run_scoped3A : memref<!tpu.dma_semaphore, #tpu.memory_space<semaphore_mem>>)
      %dma_wait3A = arith.constant 0 : i32
      %dma_wait3A_13 = tpu.memref_slice %arg7[%mul3A_2, %dma_wait3A] : memref<10112x128xf32, #tpu.memory_space<vmem_shared>> -> memref<632x128xf32, #tpu.memory_space<vmem_shared>>
      tpu.wait_dma2 semaphore(%run_scoped3A : memref<!tpu.dma_semaphore, #tpu.memory_space<semaphore_mem>>) src(%arg5 : memref<632x128xf32, #tpu.memory_space<hbm>>) dst(%dma_wait3A_13 : memref<632x128xf32, #tpu.memory_space<vmem_shared>>)
      tpu.yield
    }) : () -> ()
    %barrier3A = arith.constant 0 : index
    tpu.barrier barrier_id(%barrier3A)
    %scan3A = arith.constant 0 : i32
    %scan3A_3 = arith.constant 79 : i32
    %scan3A_4 = arith.addi %scan3A, %scan3A_3 : i32
    %scan3A_5 = arith.constant 1 : i32
    scf.for %scan3A_12 = %scan3A to %scan3A_4 step %scan3A_5  : i32 {
      "tpu.region"() ({
        %run_scoped3A = tpu.sem_alloc : memref<!tpu.dma_semaphore, #tpu.memory_space<semaphore_mem>>
        %dma_start3A = arith.constant 0 : i32
        %dma_start3A_13 = tpu.memref_slice %arg8[%scan3A_12, %dma_start3A] : memref<79x128xi32, #tpu.memory_space<vmem>> -> memref<1x128xi32, #tpu.memory_space<vmem>>
        %dma_start3A_14 = tpu.memref_squeeze %dma_start3A_13 : memref<1x128xi32, #tpu.memory_space<vmem>> -> memref<128xi32, #tpu.memory_space<vmem>>
        %dma_start3A_15 = arith.constant 0 : i32
        %dma_start3A_16 = arith.constant 0 : i32
        %dma_start3A_17 = tpu.memref_slice %arg2[%dma_start3A_15, %dma_start3A_16] : memref<10000x128xf32, #tpu.memory_space<hbm>> -> memref<10000x128xf32, #tpu.memory_space<hbm>>
        tpu.enqueue_indirect_dma source(%dma_start3A_17 : memref<10000x128xf32, #tpu.memory_space<hbm>>) target(%arg10 : memref<128x128xf32, #tpu.memory_space<vmem>>) offsets(%dma_start3A_14 : memref<128xi32, #tpu.memory_space<vmem>>) semaphore(%run_scoped3A : memref<!tpu.dma_semaphore, #tpu.memory_space<semaphore_mem>>)
        %dma_wait3A = arith.constant 0 : i32
        %dma_wait3A_18 = tpu.memref_slice %arg8[%scan3A_12, %dma_wait3A] : memref<79x128xi32, #tpu.memory_space<vmem>> -> memref<1x128xi32, #tpu.memory_space<vmem>>
        %dma_wait3A_19 = tpu.memref_squeeze %dma_wait3A_18 : memref<1x128xi32, #tpu.memory_space<vmem>> -> memref<128xi32, #tpu.memory_space<vmem>>
        %dma_wait3A_20 = arith.constant 0 : i32
        %dma_wait3A_21 = arith.constant 0 : i32
        %dma_wait3A_22 = tpu.memref_slice %arg2[%dma_wait3A_20, %dma_wait3A_21] : memref<10000x128xf32, #tpu.memory_space<hbm>> -> memref<10000x128xf32, #tpu.memory_space<hbm>>
        tpu.wait_indirect_dma semaphore(%run_scoped3A : memref<!tpu.dma_semaphore, #tpu.memory_space<semaphore_mem>>) src(%dma_wait3A_22 : memref<10000x128xf32, #tpu.memory_space<hbm>>) dst(%arg10 : memref<128x128xf32, #tpu.memory_space<vmem>>)
        tpu.yield
      }) : () -> ()
      "tpu.region"() ({
        %run_scoped3A = tpu.sem_alloc : memref<!tpu.dma_semaphore, #tpu.memory_space<semaphore_mem>>
        %dma_start3A = arith.constant 0 : i32
        %dma_start3A_13 = tpu.memref_slice %arg9[%scan3A_12, %dma_start3A] : memref<79x128xi32, #tpu.memory_space<vmem>> -> memref<1x128xi32, #tpu.memory_space<vmem>>
        %dma_start3A_14 = tpu.memref_squeeze %dma_start3A_13 : memref<1x128xi32, #tpu.memory_space<vmem>> -> memref<128xi32, #tpu.memory_space<vmem>>
        %dma_start3A_15 = arith.constant 0 : i32
        %dma_start3A_16 = arith.constant 0 : i32
        %dma_start3A_17 = tpu.memref_slice %arg7[%dma_start3A_15, %dma_start3A_16] : memref<10112x128xf32, #tpu.memory_space<vmem_shared>> -> memref<10112x128xf32, #tpu.memory_space<vmem_shared>>
        tpu.enqueue_indirect_dma source(%arg10 : memref<128x128xf32, #tpu.memory_space<vmem>>) target(%dma_start3A_17 : memref<10112x128xf32, #tpu.memory_space<vmem_shared>>) offsets(%dma_start3A_14 : memref<128xi32, #tpu.memory_space<vmem>>) semaphore(%run_scoped3A : memref<!tpu.dma_semaphore, #tpu.memory_space<semaphore_mem>>) {add = true}
        %dma_wait3A = arith.constant 0 : i32
        %dma_wait3A_18 = tpu.memref_slice %arg9[%scan3A_12, %dma_wait3A] : memref<79x128xi32, #tpu.memory_space<vmem>> -> memref<1x128xi32, #tpu.memory_space<vmem>>
        %dma_wait3A_19 = tpu.memref_squeeze %dma_wait3A_18 : memref<1x128xi32, #tpu.memory_space<vmem>> -> memref<128xi32, #tpu.memory_space<vmem>>
        %dma_wait3A_20 = arith.constant 0 : i32
        %dma_wait3A_21 = arith.constant 0 : i32
        %dma_wait3A_22 = tpu.memref_slice %arg7[%dma_wait3A_20, %dma_wait3A_21] : memref<10112x128xf32, #tpu.memory_space<vmem_shared>> -> memref<10112x128xf32, #tpu.memory_space<vmem_shared>>
        tpu.wait_indirect_dma semaphore(%run_scoped3A : memref<!tpu.dma_semaphore, #tpu.memory_space<semaphore_mem>>) src(%arg10 : memref<128x128xf32, #tpu.memory_space<vmem>>) dst(%dma_wait3A_22 : memref<10112x128xf32, #tpu.memory_space<vmem_shared>>)
        tpu.yield
      }) : () -> ()
    }
    %scan3A_6 = arith.constant 79 : i32
    %barrier3A_7 = arith.constant 0 : index
    tpu.barrier barrier_id(%barrier3A_7)
    %mul3A_8 = arith.constant 632 : i32
    %mul3A_9 = arith.muli %arg1, %mul3A_8 : i32
    %mul3A_10 = arith.constant 632 : i32
    %mul3A_11 = arith.muli %arg1, %mul3A_10 : i32
    "tpu.region"() ({
      %run_scoped3A = tpu.sem_alloc : memref<!tpu.dma_semaphore, #tpu.memory_space<semaphore_mem>>
      %dma_start3A = arith.constant 0 : i32
      %dma_start3A_12 = tpu.memref_slice %arg6[%arg0, %mul3A_11, %dma_start3A] : memref<2x10112x128xf32, #tpu.memory_space<hbm>> -> memref<1x632x128xf32, #tpu.memory_space<hbm>>
      %dma_start3A_13 = tpu.memref_squeeze %dma_start3A_12 : memref<1x632x128xf32, #tpu.memory_space<hbm>> -> memref<632x128xf32, #tpu.memory_space<hbm>>
      %dma_start3A_14 = arith.constant 0 : i32
      %dma_start3A_15 = tpu.memref_slice %arg7[%mul3A_9, %dma_start3A_14] : memref<10112x128xf32, #tpu.memory_space<vmem_shared>> -> memref<632x128xf32, #tpu.memory_space<vmem_shared>>
      tpu.enqueue_dma source(%dma_start3A_15 : memref<632x128xf32, #tpu.memory_space<vmem_shared>>) target(%dma_start3A_13 : memref<632x128xf32, #tpu.memory_space<hbm>>) target_semaphore(%run_scoped3A : memref<!tpu.dma_semaphore, #tpu.memory_space<semaphore_mem>>)
      %dma_wait3A = arith.constant 0 : i32
      %dma_wait3A_16 = tpu.memref_slice %arg6[%arg0, %mul3A_11, %dma_wait3A] : memref<2x10112x128xf32, #tpu.memory_space<hbm>> -> memref<1x632x128xf32, #tpu.memory_space<hbm>>
      %dma_wait3A_17 = tpu.memref_squeeze %dma_wait3A_16 : memref<1x632x128xf32, #tpu.memory_space<hbm>> -> memref<632x128xf32, #tpu.memory_space<hbm>>
      %dma_wait3A_18 = arith.constant 0 : i32
      %dma_wait3A_19 = tpu.memref_slice %arg7[%mul3A_9, %dma_wait3A_18] : memref<10112x128xf32, #tpu.memory_space<vmem_shared>> -> memref<632x128xf32, #tpu.memory_space<vmem_shared>>
      tpu.wait_dma2 semaphore(%run_scoped3A : memref<!tpu.dma_semaphore, #tpu.memory_space<semaphore_mem>>) src(%dma_wait3A_19 : memref<632x128xf32, #tpu.memory_space<vmem_shared>>) dst(%dma_wait3A_17 : memref<632x128xf32, #tpu.memory_space<hbm>>)
      tpu.yield
    }) : () -> ()
    return
  }
}

module attributes {stable_mosaic.version = 14 : i64} {
  func.func @_tc_mm_body(%arg0: i32, %arg1: memref<2000x128xf32, #tpu.memory_space<vmem>>, %arg2: memref<128x128xf32, #tpu.memory_space<vmem>>, %arg3: memref<2000x128xf32, #tpu.memory_space<vmem>>) attributes {dimension_semantics = [#tpu.dimension_semantics<arbitrary>], iteration_bounds = array<i64: 5>, scalar_prefetch = 0 : i64, scratch_operands = 0 : i64, tpu.core_type = #tpu.core_type<tc>, window_params = [{transform_indices = @transform_0, window_bounds = array<i64: 2000, 128>}, {pipeline_mode = #tpu.pipeline_mode<synchronous>, transform_indices = @transform_1, window_bounds = array<i64: 128, 128>}, {transform_indices = @transform_2, window_bounds = array<i64: 2000, 128>}]} {
    %get3A = arith.constant 0 : index
    %get3A_0 = arith.constant 0 : index
    %get3A_1 = vector.load %arg1[%get3A, %get3A_0] : memref<2000x128xf32, #tpu.memory_space<vmem>>, vector<2000x128xf32>
    %get3A_2 = arith.constant 0 : index
    %get3A_3 = arith.constant 0 : index
    %get3A_4 = vector.load %arg2[%get3A_2, %get3A_3] : memref<128x128xf32, #tpu.memory_space<vmem>>, vector<128x128xf32>
    %dot_general3A = arith.constant dense<0.000000e+00> : vector<2000x128xf32>
    %dot_general3A_5 = tpu.matmul %get3A_1, %get3A_4, %dot_general3A {dimension_numbers = #tpu.dot_dimension_numbers<[1], [0], [0], [1], [0, 0, 1, 1], [], []>, transpose_lhs_hint = false} : vector<2000x128xf32>, vector<128x128xf32>, vector<2000x128xf32> -> vector<2000x128xf32>
    %swap3A = arith.constant 0 : index
    %swap3A_6 = arith.constant 0 : index
    %swap3A_7 = vector.load %arg3[%swap3A, %swap3A_6] : memref<2000x128xf32, #tpu.memory_space<vmem>>, vector<2000x128xf32>
    tpu.vector_store %arg3[%swap3A, %swap3A_6], %dot_general3A_5 {strides = array<i32>} : memref<2000x128xf32, #tpu.memory_space<vmem>>, vector<2000x128xf32>,
    return
  }
  func.func @transform_0(%arg0: i32) -> (i32, i32) {
    %c0_i32 = arith.constant 0 : i32
    %c0_i32_0 = arith.constant 0 : i32
    return %arg0, %c0_i32 : i32, i32
  }
  func.func @transform_1(%arg0: i32) -> (i32, i32) {
    %c0_i32 = arith.constant 0 : i32
    %c0_i32_0 = arith.constant 0 : i32
    %c0_i32_1 = arith.constant 0 : i32
    return %c0_i32, %c0_i32_0 : i32, i32
  }
  func.func @transform_2(%arg0: i32) -> (i32, i32) {
    %c0_i32 = arith.constant 0 : i32
    %c0_i32_0 = arith.constant 0 : i32
    return %arg0, %c0_i32 : i32, i32
  }
}

module attributes {stable_mosaic.version = 14 : i64} {
  func.func @_tc_scale_body(%arg0: i32, %arg1: memref<2000x128xf32, #tpu.memory_space<vmem>>, %arg2: memref<2000x128xf32, #tpu.memory_space<vmem>>, %arg3: memref<2000x128xf32, #tpu.memory_space<vmem>>, %arg4: memref<2000x128xf32, #tpu.memory_space<vmem>>, %arg5: memref<2000x128xf32, #tpu.memory_space<vmem>>) attributes {dimension_semantics = [#tpu.dimension_semantics<arbitrary>], iteration_bounds = array<i64: 5>, scalar_prefetch = 0 : i64, scratch_operands = 0 : i64, tpu.core_type = #tpu.core_type<tc>, window_params = [{transform_indices = @transform_0, window_bounds = array<i64: 2000, 128>}, {transform_indices = @transform_1, window_bounds = array<i64: 2000, 128>}, {transform_indices = @transform_2, window_bounds = array<i64: 2000, 128>}, {transform_indices = @transform_3, window_bounds = array<i64: 2000, 128>}, {transform_indices = @transform_4, window_bounds = array<i64: 2000, 128>}]} {
    %get3A = arith.constant 0 : index
    %get3A_0 = arith.constant 0 : index
    %get3A_1 = vector.load %arg2[%get3A, %get3A_0] : memref<2000x128xf32, #tpu.memory_space<vmem>>, vector<2000x1xf32>
    %get3A_2 = arith.constant 0 : index
    %get3A_3 = arith.constant 0 : index
    %get3A_4 = vector.load %arg3[%get3A_2, %get3A_3] : memref<2000x128xf32, #tpu.memory_space<vmem>>, vector<2000x1xf32>
    %add3A = arith.addf %get3A_1, %get3A_4 : vector<2000x1xf32>
    %add3A_5 = arith.constant 1.000000e+00 : f32
    %add3A_6 = vector.broadcast %add3A_5 : f32 to vector<2000x1xf32>
    %add3A_7 = arith.addf %add3A, %add3A_6 : vector<2000x1xf32>
    %rsqrt3A = math.rsqrt %add3A_7 : vector<2000x1xf32>
    %get3A_8 = arith.constant 0 : index
    %get3A_9 = arith.constant 0 : index
    %get3A_10 = vector.load %arg1[%get3A_8, %get3A_9] : memref<2000x128xf32, #tpu.memory_space<vmem>>, vector<2000x128xf32>
    %mul3A = vector.broadcast %rsqrt3A : vector<2000x1xf32> to vector<2000x128xf32>
    %mul3A_11 = arith.mulf %get3A_10, %mul3A : vector<2000x128xf32>
    %swap3A = arith.constant 0 : index
    %swap3A_12 = arith.constant 0 : index
    %swap3A_13 = vector.load %arg4[%swap3A, %swap3A_12] : memref<2000x128xf32, #tpu.memory_space<vmem>>, vector<2000x128xf32>
    tpu.vector_store %arg4[%swap3A, %swap3A_12], %mul3A_11 {strides = array<i32>} : memref<2000x128xf32, #tpu.memory_space<vmem>>, vector<2000x128xf32>,
    %broadcast_in_dim3A = vector.shape_cast %rsqrt3A : vector<2000x1xf32> to vector<2000x1xf32>
    %broadcast_in_dim3A_14 = vector.broadcast %broadcast_in_dim3A : vector<2000x1xf32> to vector<2000x128xf32>
    %swap3A_15 = arith.constant 0 : index
    %swap3A_16 = arith.constant 0 : index
    %swap3A_17 = vector.load %arg5[%swap3A_15, %swap3A_16] : memref<2000x128xf32, #tpu.memory_space<vmem>>, vector<2000x128xf32>
    tpu.vector_store %arg5[%swap3A_15, %swap3A_16], %broadcast_in_dim3A_14 {strides = array<i32>} : memref<2000x128xf32, #tpu.memory_space<vmem>>, vector<2000x128xf32>,
    return
  }
  func.func @transform_0(%arg0: i32) -> (i32, i32) {
    %c0_i32 = arith.constant 0 : i32
    %c0_i32_0 = arith.constant 0 : i32
    return %arg0, %c0_i32 : i32, i32
  }
  func.func @transform_1(%arg0: i32) -> (i32, i32) {
    %c0_i32 = arith.constant 0 : i32
    %c0_i32_0 = arith.constant 0 : i32
    return %arg0, %c0_i32 : i32, i32
  }
  func.func @transform_2(%arg0: i32) -> (i32, i32) {
    %c0_i32 = arith.constant 0 : i32
    %c0_i32_0 = arith.constant 0 : i32
    return %arg0, %c0_i32 : i32, i32
  }
  func.func @transform_3(%arg0: i32) -> (i32, i32) {
    %c0_i32 = arith.constant 0 : i32
    %c0_i32_0 = arith.constant 0 : i32
    return %arg0, %c0_i32 : i32, i32
  }
  func.func @transform_4(%arg0: i32) -> (i32, i32) {
    %c0_i32 = arith.constant 0 : i32
    %c0_i32_0 = arith.constant 0 : i32
    return %arg0, %c0_i32 : i32, i32
  }
}

module attributes {stable_mosaic.version = 14 : i64} {
  func.func @_tc_combine_body(%arg0: i32, %arg1: memref<2000x128xf32, #tpu.memory_space<vmem>>, %arg2: memref<2000x128xf32, #tpu.memory_space<vmem>>, %arg3: memref<2000x128xf32, #tpu.memory_space<vmem>>, %arg4: memref<2000x128xf32, #tpu.memory_space<vmem>>, %arg5: memref<1x128xf32, #tpu.memory_space<vmem>>, %arg6: memref<128x128xf32, #tpu.memory_space<vmem>>, %arg7: memref<2000x128xf32, #tpu.memory_space<vmem>>) attributes {dimension_semantics = [#tpu.dimension_semantics<arbitrary>], iteration_bounds = array<i64: 5>, scalar_prefetch = 0 : i64, scratch_operands = 0 : i64, tpu.core_type = #tpu.core_type<tc>, window_params = [{transform_indices = @transform_0, window_bounds = array<i64: 2000, 128>}, {transform_indices = @transform_1, window_bounds = array<i64: 2000, 128>}, {transform_indices = @transform_2, window_bounds = array<i64: 2000, 128>}, {transform_indices = @transform_3, window_bounds = array<i64: 2000, 128>}, {pipeline_mode = #tpu.pipeline_mode<synchronous>, transform_indices = @transform_4, window_bounds = array<i64: 1, 128>}, {pipeline_mode = #tpu.pipeline_mode<synchronous>, transform_indices = @transform_5, window_bounds = array<i64: 128, 128>}, {transform_indices = @transform_6, window_bounds = array<i64: 2000, 128>}]} {
    %get3A = arith.constant 0 : index
    %get3A_0 = arith.constant 0 : index
    %get3A_1 = vector.load %arg1[%get3A, %get3A_0] : memref<2000x128xf32, #tpu.memory_space<vmem>>, vector<2000x128xf32>
    %get3A_2 = arith.constant 0 : index
    %get3A_3 = arith.constant 0 : index
    %get3A_4 = vector.load %arg2[%get3A_2, %get3A_3] : memref<2000x128xf32, #tpu.memory_space<vmem>>, vector<2000x128xf32>
    %add3A = arith.addf %get3A_1, %get3A_4 : vector<2000x128xf32>
    %get3A_5 = arith.constant 0 : index
    %get3A_6 = arith.constant 0 : index
    %get3A_7 = vector.load %arg3[%get3A_5, %get3A_6] : memref<2000x128xf32, #tpu.memory_space<vmem>>, vector<2000x128xf32>
    %add3A_8 = arith.addf %add3A, %get3A_7 : vector<2000x128xf32>
    %get3A_9 = arith.constant 0 : index
    %get3A_10 = arith.constant 0 : index
    %get3A_11 = vector.load %arg4[%get3A_9, %get3A_10] : memref<2000x128xf32, #tpu.memory_space<vmem>>, vector<2000x128xf32>
    %mul3A = arith.mulf %add3A_8, %get3A_11 : vector<2000x128xf32>
    %get3A_12 = arith.constant 0 : index
    %get3A_13 = arith.constant 0 : index
    %get3A_14 = vector.load %arg5[%get3A_12, %get3A_13] : memref<1x128xf32, #tpu.memory_space<vmem>>, vector<1x128xf32>
    %add3A_15 = vector.broadcast %get3A_14 : vector<1x128xf32> to vector<2000x128xf32>
    %add3A_16 = arith.addf %mul3A, %add3A_15 : vector<2000x128xf32>
    %max3A = arith.constant 0.000000e+00 : f32
    %max3A_17 = vector.broadcast %max3A : f32 to vector<2000x128xf32>
    %max3A_18 = arith.maximumf %add3A_16, %max3A_17 : vector<2000x128xf32>
    %get3A_19 = arith.constant 0 : index
    %get3A_20 = arith.constant 0 : index
    %get3A_21 = vector.load %arg6[%get3A_19, %get3A_20] : memref<128x128xf32, #tpu.memory_space<vmem>>, vector<128x128xf32>
    %dot_general3A = arith.constant dense<0.000000e+00> : vector<2000x128xf32>
    %dot_general3A_22 = tpu.matmul %max3A_18, %get3A_21, %dot_general3A {dimension_numbers = #tpu.dot_dimension_numbers<[1], [0], [0], [1], [0, 0, 1, 1], [], []>, transpose_lhs_hint = false} : vector<2000x128xf32>, vector<128x128xf32>, vector<2000x128xf32> -> vector<2000x128xf32>
    %get3A_23 = arith.constant 0 : index
    %get3A_24 = arith.constant 0 : index
    %get3A_25 = vector.load %arg4[%get3A_23, %get3A_24] : memref<2000x128xf32, #tpu.memory_space<vmem>>, vector<2000x128xf32>
    %mul3A_26 = arith.mulf %dot_general3A_22, %get3A_25 : vector<2000x128xf32>
    %swap3A = arith.constant 0 : index
    %swap3A_27 = arith.constant 0 : index
    %swap3A_28 = vector.load %arg7[%swap3A, %swap3A_27] : memref<2000x128xf32, #tpu.memory_space<vmem>>, vector<2000x128xf32>
    tpu.vector_store %arg7[%swap3A, %swap3A_27], %mul3A_26 {strides = array<i32>} : memref<2000x128xf32, #tpu.memory_space<vmem>>, vector<2000x128xf32>,
    return
  }
  func.func @transform_0(%arg0: i32) -> (i32, i32) {
    %c0_i32 = arith.constant 0 : i32
    %c0_i32_0 = arith.constant 0 : i32
    return %arg0, %c0_i32 : i32, i32
  }
  func.func @transform_1(%arg0: i32) -> (i32, i32) {
    %c0_i32 = arith.constant 0 : i32
    %c0_i32_0 = arith.constant 0 : i32
    return %arg0, %c0_i32 : i32, i32
  }
  func.func @transform_2(%arg0: i32) -> (i32, i32) {
    %c0_i32 = arith.constant 0 : i32
    %c0_i32_0 = arith.constant 0 : i32
    return %arg0, %c0_i32 : i32, i32
  }
  func.func @transform_3(%arg0: i32) -> (i32, i32) {
    %c0_i32 = arith.constant 0 : i32
    %c0_i32_0 = arith.constant 0 : i32
    return %arg0, %c0_i32 : i32, i32
  }
  func.func @transform_4(%arg0: i32) -> (i32, i32) {
    %c0_i32 = arith.constant 0 : i32
    %c0_i32_0 = arith.constant 0 : i32
    %c0_i32_1 = arith.constant 0 : i32
    return %c0_i32, %c0_i32_0 : i32, i32
  }
  func.func @transform_5(%arg0: i32) -> (i32, i32) {
    %c0_i32 = arith.constant 0 : i32
    %c0_i32_0 = arith.constant 0 : i32
    %c0_i32_1 = arith.constant 0 : i32
    return %c0_i32, %c0_i32_0 : i32, i32
  }
  func.func @transform_6(%arg0: i32) -> (i32, i32) {
    %c0_i32 = arith.constant 0 : i32
    %c0_i32_0 = arith.constant 0 : i32
    return %arg0, %c0_i32 : i32, i32
  }
}

module attributes {stable_mosaic.version = 14 : i64} {
  func.func @_tc_pool_mlp_body(%arg0: i32, %arg1: memref<2000x128xf32, #tpu.memory_space<vmem>>, %arg2: memref<2000x128xf32, #tpu.memory_space<vmem>>, %arg3: memref<2000x128xf32, #tpu.memory_space<vmem>>, %arg4: memref<2000x128xf32, #tpu.memory_space<vmem>>, %arg5: memref<1x128xf32, #tpu.memory_space<vmem>>, %arg6: memref<2000x1xi32, #tpu.memory_space<vmem>>, %arg7: memref<64x128xf32, #tpu.memory_space<vmem>>, %arg8: memref<128x128xf32, #tpu.memory_space<vmem>>, %arg9: memref<128x128xf32, #tpu.memory_space<vmem>>, %arg10: memref<1x128xf32, #tpu.memory_space<vmem>>, %arg11: memref<128x128xf32, #tpu.memory_space<vmem>>, %arg12: memref<1x128xf32, #tpu.memory_space<vmem>>, %arg13: memref<128x128xf32, #tpu.memory_space<vmem>>, %arg14: memref<1x128xf32, #tpu.memory_space<vmem>>, %arg15: memref<64x128xf32, #tpu.memory_space<vmem>>, %arg16: memref<64x128xf32, #tpu.memory_space<vmem>>, %arg17: memref<64x128xf32, #tpu.memory_space<vmem>>) attributes {dimension_semantics = [#tpu.dimension_semantics<arbitrary>], iteration_bounds = array<i64: 5>, scalar_prefetch = 0 : i64, scratch_operands = 2 : i64, tpu.core_type = #tpu.core_type<tc>, window_params = [{transform_indices = @transform_0, window_bounds = array<i64: 2000, 128>}, {transform_indices = @transform_1, window_bounds = array<i64: 2000, 128>}, {transform_indices = @transform_2, window_bounds = array<i64: 2000, 128>}, {transform_indices = @transform_3, window_bounds = array<i64: 2000, 128>}, {pipeline_mode = #tpu.pipeline_mode<synchronous>, transform_indices = @transform_4, window_bounds = array<i64: 1, 128>}, {transform_indices = @transform_5, window_bounds = array<i64: 2000, 1>}, {pipeline_mode = #tpu.pipeline_mode<synchronous>, transform_indices = @transform_6, window_bounds = array<i64: 64, 128>}, {pipeline_mode = #tpu.pipeline_mode<synchronous>, transform_indices = @transform_7, window_bounds = array<i64: 128, 128>}, {pipeline_mode = #tpu.pipeline_mode<synchronous>, transform_indices = @transform_8, window_bounds = array<i64: 128, 128>}, {pipeline_mode = #tpu.pipeline_mode<synchronous>, transform_indices = @transform_9, window_bounds = array<i64: 1, 128>}, {pipeline_mode = #tpu.pipeline_mode<synchronous>, transform_indices = @transform_10, window_bounds = array<i64: 128, 128>}, {pipeline_mode = #tpu.pipeline_mode<synchronous>, transform_indices = @transform_11, window_bounds = array<i64: 1, 128>}, {pipeline_mode = #tpu.pipeline_mode<synchronous>, transform_indices = @transform_12, window_bounds = array<i64: 128, 128>}, {pipeline_mode = #tpu.pipeline_mode<synchronous>, transform_indices = @transform_13, window_bounds = array<i64: 1, 128>}, {pipeline_mode = #tpu.pipeline_mode<synchronous>, transform_indices = @transform_14, window_bounds = array<i64: 64, 128>}]} {
    %eq3A = arith.constant 0 : i32
    %eq3A_0 = arith.cmpi eq, %arg0, %eq3A : i32
    %convert_element_type3A = arith.extui %eq3A_0 : i1 to i32
    %cond3A = arith.constant 0 : i32
    %cond3A_1 = arith.cmpi ne, %convert_element_type3A, %cond3A : i32
    scf.if %cond3A_1 {
      %broadcast_in_dim3A_50 = arith.constant 0.000000e+00 : f32
      %broadcast_in_dim3A_51 = vector.broadcast %broadcast_in_dim3A_50 : f32 to vector<64x128xf32>
      %swap3A_52 = arith.constant 0 : index
      %swap3A_53 = arith.constant 0 : index
      %swap3A_54 = vector.load %arg16[%swap3A_52, %swap3A_53] : memref<64x128xf32, #tpu.memory_space<vmem>>, vector<64x128xf32>
      tpu.vector_store %arg16[%swap3A_52, %swap3A_53], %broadcast_in_dim3A_51 {strides = array<i32>} : memref<64x128xf32, #tpu.memory_space<vmem>>, vector<64x128xf32>,
      %broadcast_in_dim3A_55 = arith.constant 0.000000e+00 : f32
      %broadcast_in_dim3A_56 = vector.broadcast %broadcast_in_dim3A_55 : f32 to vector<64x128xf32>
      %swap3A_57 = arith.constant 0 : index
      %swap3A_58 = arith.constant 0 : index
      %swap3A_59 = vector.load %arg17[%swap3A_57, %swap3A_58] : memref<64x128xf32, #tpu.memory_space<vmem>>, vector<64x128xf32>
      tpu.vector_store %arg17[%swap3A_57, %swap3A_58], %broadcast_in_dim3A_56 {strides = array<i32>} : memref<64x128xf32, #tpu.memory_space<vmem>>, vector<64x128xf32>,
    } else {
    }
    %get3A = arith.constant 0 : index
    %get3A_2 = arith.constant 0 : index
    %get3A_3 = vector.load %arg1[%get3A, %get3A_2] : memref<2000x128xf32, #tpu.memory_space<vmem>>, vector<2000x128xf32>
    %get3A_4 = arith.constant 0 : index
    %get3A_5 = arith.constant 0 : index
    %get3A_6 = vector.load %arg2[%get3A_4, %get3A_5] : memref<2000x128xf32, #tpu.memory_space<vmem>>, vector<2000x128xf32>
    %add3A = arith.addf %get3A_3, %get3A_6 : vector<2000x128xf32>
    %get3A_7 = arith.constant 0 : index
    %get3A_8 = arith.constant 0 : index
    %get3A_9 = vector.load %arg3[%get3A_7, %get3A_8] : memref<2000x128xf32, #tpu.memory_space<vmem>>, vector<2000x128xf32>
    %add3A_10 = arith.addf %add3A, %get3A_9 : vector<2000x128xf32>
    %get3A_11 = arith.constant 0 : index
    %get3A_12 = arith.constant 0 : index
    %get3A_13 = vector.load %arg4[%get3A_11, %get3A_12] : memref<2000x128xf32, #tpu.memory_space<vmem>>, vector<2000x128xf32>
    %mul3A = arith.mulf %add3A_10, %get3A_13 : vector<2000x128xf32>
    %get3A_14 = arith.constant 0 : index
    %get3A_15 = arith.constant 0 : index
    %get3A_16 = vector.load %arg5[%get3A_14, %get3A_15] : memref<1x128xf32, #tpu.memory_space<vmem>>, vector<1x128xf32>
    %add3A_17 = vector.broadcast %get3A_16 : vector<1x128xf32> to vector<2000x128xf32>
    %add3A_18 = arith.addf %mul3A, %add3A_17 : vector<2000x128xf32>
    %max3A = arith.constant 0.000000e+00 : f32
    %max3A_19 = vector.broadcast %max3A : f32 to vector<2000x128xf32>
    %max3A_20 = arith.maximumf %add3A_18, %max3A_19 : vector<2000x128xf32>
    %iota3A = tpu.iota {dimensions = array<i32: 1>} : vector<2000x64xi32>
    %get3A_21 = arith.constant 0 : index
    %get3A_22 = arith.constant 0 : index
    %get3A_23 = vector.load %arg6[%get3A_21, %get3A_22] : memref<2000x1xi32, #tpu.memory_space<vmem>>, vector<2000x1xi32>
    %eq3A_24 = vector.broadcast %get3A_23 : vector<2000x1xi32> to vector<2000x64xi32>
    %eq3A_25 = arith.cmpi eq, %eq3A_24, %iota3A : vector<2000x64xi32>
    %convert_element_type3A_26 = arith.extui %eq3A_25 : vector<2000x64xi1> to vector<2000x64xi32>
    %convert_element_type3A_27 = arith.sitofp %convert_element_type3A_26 : vector<2000x64xi32> to vector<2000x64xf32>
    %get3A_28 = arith.constant 0 : index
    %get3A_29 = arith.constant 0 : index
    %get3A_30 = vector.load %arg16[%get3A_28, %get3A_29] : memref<64x128xf32, #tpu.memory_space<vmem>>, vector<64x128xf32>
    %dot_general3A = arith.constant dense<0.000000e+00> : vector<64x128xf32>
    %dot_general3A_31 = tpu.matmul %convert_element_type3A_27, %max3A_20, %dot_general3A {dimension_numbers = #tpu.dot_dimension_numbers<[0], [0], [1], [1], [0, 1, 1, 1], [], []>, transpose_lhs_hint = false} : vector<2000x64xf32>, vector<2000x128xf32>, vector<64x128xf32> -> vector<64x128xf32>
    %add3A_32 = arith.addf %get3A_30, %dot_general3A_31 : vector<64x128xf32>
    %swap3A = arith.constant 0 : index
    %swap3A_33 = arith.constant 0 : index
    %swap3A_34 = vector.load %arg16[%swap3A, %swap3A_33] : memref<64x128xf32, #tpu.memory_space<vmem>>, vector<64x128xf32>
    tpu.vector_store %arg16[%swap3A, %swap3A_33], %add3A_32 {strides = array<i32>} : memref<64x128xf32, #tpu.memory_space<vmem>>, vector<64x128xf32>,
    %get3A_35 = arith.constant 0 : index
    %get3A_36 = arith.constant 0 : index
    %get3A_37 = vector.load %arg17[%get3A_35, %get3A_36] : memref<64x128xf32, #tpu.memory_space<vmem>>, vector<64x128xf32>
    %broadcast_in_dim3A = arith.constant 1.000000e+00 : f32
    %broadcast_in_dim3A_38 = vector.broadcast %broadcast_in_dim3A : f32 to vector<2000x128xf32>
    %dot_general3A_39 = arith.constant dense<0.000000e+00> : vector<64x128xf32>
    %dot_general3A_40 = tpu.matmul %convert_element_type3A_27, %broadcast_in_dim3A_38, %dot_general3A_39 {dimension_numbers = #tpu.dot_dimension_numbers<[0], [0], [1], [1], [0, 1, 1, 1], [], []>, transpose_lhs_hint = false} : vector<2000x64xf32>, vector<2000x128xf32>, vector<64x128xf32> -> vector<64x128xf32>
    %add3A_41 = arith.addf %get3A_37, %dot_general3A_40 : vector<64x128xf32>
    %swap3A_42 = arith.constant 0 : index
    %swap3A_43 = arith.constant 0 : index
    %swap3A_44 = vector.load %arg17[%swap3A_42, %swap3A_43] : memref<64x128xf32, #tpu.memory_space<vmem>>, vector<64x128xf32>
    tpu.vector_store %arg17[%swap3A_42, %swap3A_43], %add3A_41 {strides = array<i32>} : memref<64x128xf32, #tpu.memory_space<vmem>>, vector<64x128xf32>,
    %eq3A_45 = arith.constant 4 : i32
    %eq3A_46 = arith.cmpi eq, %arg0, %eq3A_45 : i32
    %convert_element_type3A_47 = arith.extui %eq3A_46 : i1 to i32
    %cond3A_48 = arith.constant 0 : i32
    %cond3A_49 = arith.cmpi ne, %convert_element_type3A_47, %cond3A_48 : i32
    scf.if %cond3A_49 {
      %get3A_50 = arith.constant 0 : index
      %get3A_51 = arith.constant 0 : index
      %get3A_52 = vector.load %arg16[%get3A_50, %get3A_51] : memref<64x128xf32, #tpu.memory_space<vmem>>, vector<64x128xf32>
      %get3A_53 = arith.constant 0 : index
      %get3A_54 = arith.constant 0 : index
      %get3A_55 = vector.load %arg17[%get3A_53, %get3A_54] : memref<64x128xf32, #tpu.memory_space<vmem>>, vector<64x128xf32>
      %max3A_56 = arith.constant 1.000000e+00 : f32
      %max3A_57 = vector.broadcast %max3A_56 : f32 to vector<64x128xf32>
      %max3A_58 = arith.maximumf %get3A_55, %max3A_57 : vector<64x128xf32>
      %div3A = arith.divf %get3A_52, %max3A_58 : vector<64x128xf32>
      %get3A_59 = arith.constant 0 : index
      %get3A_60 = arith.constant 0 : index
      %get3A_61 = vector.load %arg8[%get3A_59, %get3A_60] : memref<128x128xf32, #tpu.memory_space<vmem>>, vector<128x128xf32>
      %dot_general3A_62 = arith.constant dense<0.000000e+00> : vector<64x128xf32>
      %dot_general3A_63 = tpu.matmul %div3A, %get3A_61, %dot_general3A_62 {dimension_numbers = #tpu.dot_dimension_numbers<[1], [0], [0], [1], [0, 0, 1, 1], [], []>, transpose_lhs_hint = false} : vector<64x128xf32>, vector<128x128xf32>, vector<64x128xf32> -> vector<64x128xf32>
      %get3A_64 = arith.constant 0 : index
      %get3A_65 = arith.constant 0 : index
      %get3A_66 = vector.load %arg7[%get3A_64, %get3A_65] : memref<64x128xf32, #tpu.memory_space<vmem>>, vector<64x128xf32>
      %get3A_67 = arith.constant 0 : index
      %get3A_68 = arith.constant 0 : index
      %get3A_69 = vector.load %arg9[%get3A_67, %get3A_68] : memref<128x128xf32, #tpu.memory_space<vmem>>, vector<128x128xf32>
      %dot_general3A_70 = arith.constant dense<0.000000e+00> : vector<64x128xf32>
      %dot_general3A_71 = tpu.matmul %get3A_66, %get3A_69, %dot_general3A_70 {dimension_numbers = #tpu.dot_dimension_numbers<[1], [0], [0], [1], [0, 0, 1, 1], [], []>, transpose_lhs_hint = false} : vector<64x128xf32>, vector<128x128xf32>, vector<64x128xf32> -> vector<64x128xf32>
      %add3A_72 = arith.addf %dot_general3A_63, %dot_general3A_71 : vector<64x128xf32>
      %get3A_73 = arith.constant 0 : index
      %get3A_74 = arith.constant 0 : index
      %get3A_75 = vector.load %arg10[%get3A_73, %get3A_74] : memref<1x128xf32, #tpu.memory_space<vmem>>, vector<1x128xf32>
      %add3A_76 = vector.broadcast %get3A_75 : vector<1x128xf32> to vector<64x128xf32>
      %add3A_77 = arith.addf %add3A_72, %add3A_76 : vector<64x128xf32>
      %max3A_78 = arith.constant 0.000000e+00 : f32
      %max3A_79 = vector.broadcast %max3A_78 : f32 to vector<64x128xf32>
      %max3A_80 = arith.maximumf %add3A_77, %max3A_79 : vector<64x128xf32>
      %get3A_81 = arith.constant 0 : index
      %get3A_82 = arith.constant 0 : index
      %get3A_83 = vector.load %arg11[%get3A_81, %get3A_82] : memref<128x128xf32, #tpu.memory_space<vmem>>, vector<128x128xf32>
      %dot_general3A_84 = arith.constant dense<0.000000e+00> : vector<64x128xf32>
      %dot_general3A_85 = tpu.matmul %max3A_80, %get3A_83, %dot_general3A_84 {dimension_numbers = #tpu.dot_dimension_numbers<[1], [0], [0], [1], [0, 0, 1, 1], [], []>, transpose_lhs_hint = false} : vector<64x128xf32>, vector<128x128xf32>, vector<64x128xf32> -> vector<64x128xf32>
      %get3A_86 = arith.constant 0 : index
      %get3A_87 = arith.constant 0 : index
      %get3A_88 = vector.load %arg12[%get3A_86, %get3A_87] : memref<1x128xf32, #tpu.memory_space<vmem>>, vector<1x128xf32>
      %add3A_89 = vector.broadcast %get3A_88 : vector<1x128xf32> to vector<64x128xf32>
      %add3A_90 = arith.addf %dot_general3A_85, %add3A_89 : vector<64x128xf32>
      %max3A_91 = arith.constant 0.000000e+00 : f32
      %max3A_92 = vector.broadcast %max3A_91 : f32 to vector<64x128xf32>
      %max3A_93 = arith.maximumf %add3A_90, %max3A_92 : vector<64x128xf32>
      %get3A_94 = arith.constant 0 : index
      %get3A_95 = arith.constant 0 : index
      %get3A_96 = vector.load %arg13[%get3A_94, %get3A_95] : memref<128x128xf32, #tpu.memory_space<vmem>>, vector<128x128xf32>
      %dot_general3A_97 = arith.constant dense<0.000000e+00> : vector<64x128xf32>
      %dot_general3A_98 = tpu.matmul %max3A_93, %get3A_96, %dot_general3A_97 {dimension_numbers = #tpu.dot_dimension_numbers<[1], [0], [0], [1], [0, 0, 1, 1], [], []>, transpose_lhs_hint = false} : vector<64x128xf32>, vector<128x128xf32>, vector<64x128xf32> -> vector<64x128xf32>
      %get3A_99 = arith.constant 0 : index
      %get3A_100 = arith.constant 0 : index
      %get3A_101 = vector.load %arg14[%get3A_99, %get3A_100] : memref<1x128xf32, #tpu.memory_space<vmem>>, vector<1x128xf32>
      %add3A_102 = vector.broadcast %get3A_101 : vector<1x128xf32> to vector<64x128xf32>
      %add3A_103 = arith.addf %dot_general3A_98, %add3A_102 : vector<64x128xf32>
      %swap3A_104 = arith.constant 0 : index
      %swap3A_105 = arith.constant 0 : index
      %swap3A_106 = vector.load %arg15[%swap3A_104, %swap3A_105] : memref<64x128xf32, #tpu.memory_space<vmem>>, vector<64x128xf32>
      tpu.vector_store %arg15[%swap3A_104, %swap3A_105], %add3A_103 {strides = array<i32>} : memref<64x128xf32, #tpu.memory_space<vmem>>, vector<64x128xf32>,
    } else {
    }
    return
  }
  func.func @transform_0(%arg0: i32) -> (i32, i32) {
    %c0_i32 = arith.constant 0 : i32
    %c0_i32_0 = arith.constant 0 : i32
    return %arg0, %c0_i32 : i32, i32
  }
  func.func @transform_1(%arg0: i32) -> (i32, i32) {
    %c0_i32 = arith.constant 0 : i32
    %c0_i32_0 = arith.constant 0 : i32
    return %arg0, %c0_i32 : i32, i32
  }
  func.func @transform_2(%arg0: i32) -> (i32, i32) {
    %c0_i32 = arith.constant 0 : i32
    %c0_i32_0 = arith.constant 0 : i32
    return %arg0, %c0_i32 : i32, i32
  }
  func.func @transform_3(%arg0: i32) -> (i32, i32) {
    %c0_i32 = arith.constant 0 : i32
    %c0_i32_0 = arith.constant 0 : i32
    return %arg0, %c0_i32 : i32, i32
  }
  func.func @transform_4(%arg0: i32) -> (i32, i32) {
    %c0_i32 = arith.constant 0 : i32
    %c0_i32_0 = arith.constant 0 : i32
    %c0_i32_1 = arith.constant 0 : i32
    return %c0_i32, %c0_i32_0 : i32, i32
  }
  func.func @transform_5(%arg0: i32) -> (i32, i32) {
    %c0_i32 = arith.constant 0 : i32
    %c0_i32_0 = arith.constant 0 : i32
    return %arg0, %c0_i32 : i32, i32
  }
  func.func @transform_6(%arg0: i32) -> (i32, i32) {
    %c0_i32 = arith.constant 0 : i32
    %c0_i32_0 = arith.constant 0 : i32
    %c0_i32_1 = arith.constant 0 : i32
    return %c0_i32, %c0_i32_0 : i32, i32
  }
  func.func @transform_7(%arg0: i32) -> (i32, i32) {
    %c0_i32 = arith.constant 0 : i32
    %c0_i32_0 = arith.constant 0 : i32
    %c0_i32_1 = arith.constant 0 : i32
    return %c0_i32, %c0_i32_0 : i32, i32
  }
  func.func @transform_8(%arg0: i32) -> (i32, i32) {
    %c0_i32 = arith.constant 0 : i32
    %c0_i32_0 = arith.constant 0 : i32
    %c0_i32_1 = arith.constant 0 : i32
    return %c0_i32, %c0_i32_0 : i32, i32
  }
  func.func @transform_9(%arg0: i32) -> (i32, i32) {
    %c0_i32 = arith.constant 0 : i32
    %c0_i32_0 = arith.constant 0 : i32
    %c0_i32_1 = arith.constant 0 : i32
    return %c0_i32, %c0_i32_0 : i32, i32
  }
  func.func @transform_10(%arg0: i32) -> (i32, i32) {
    %c0_i32 = arith.constant 0 : i32
    %c0_i32_0 = arith.constant 0 : i32
    %c0_i32_1 = arith.constant 0 : i32
    return %c0_i32, %c0_i32_0 : i32, i32
  }
  func.func @transform_11(%arg0: i32) -> (i32, i32) {
    %c0_i32 = arith.constant 0 : i32
    %c0_i32_0 = arith.constant 0 : i32
    %c0_i32_1 = arith.constant 0 : i32
    return %c0_i32, %c0_i32_0 : i32, i32
  }
  func.func @transform_12(%arg0: i32) -> (i32, i32) {
    %c0_i32 = arith.constant 0 : i32
    %c0_i32_0 = arith.constant 0 : i32
    %c0_i32_1 = arith.constant 0 : i32
    return %c0_i32, %c0_i32_0 : i32, i32
  }
  func.func @transform_13(%arg0: i32) -> (i32, i32) {
    %c0_i32 = arith.constant 0 : i32
    %c0_i32_0 = arith.constant 0 : i32
    %c0_i32_1 = arith.constant 0 : i32
    return %c0_i32, %c0_i32_0 : i32, i32
  }
  func.func @transform_14(%arg0: i32) -> (i32, i32) {
    %c0_i32 = arith.constant 0 : i32
    %c0_i32_0 = arith.constant 0 : i32
    %c0_i32_1 = arith.constant 0 : i32
    return %c0_i32, %c0_i32_0 : i32, i32
  }
}

</mosaic_0001>

<sc_bundles>
// kernel: kernel.11.cloned.1.call-start
scs
__scs_entry_jumppad:
0x0: {  	(pc) =	sbr.rel $0x88, $3  }
0x1: {  	(tag) =	ssettag $0x0;
	lr =	simm.s32 $0x1  }
0x2: {  	[smem:$0x3F91] =	sst lr;
	_ =	strace $0xD0000000  }
0x3: {  	_ = 	snop  }
0x4: {  	_ = 	snop  }
0x5: {  	_ = 	snop  }
0x6: {  	_ = 	snop  }
0x7: {  	_ = 	snop  }
__scs_overlays_trampoline_lowered:
0x8: {  	[smem:$0x3FA0] =	sst s0  }
0x9: {  	[smem:$0x3FA1] =	sst s1  }
0xa: {  	[smem:$0x3FA2] =	sst s2  }
0xb: {  	[smem:$0x3FA3] =	sst s3  }
0xc: {  	[smem:$0x3FA4] =	sst s4  }
0xd: {  	[smem:$0x3FA5] =	sst s5  }
0xe: {  	[smem:$0x3FA6] =	sst s6  }
0xf: {  	[smem:$0x3FA7] =	sst s7  }
0x10: {  	[smem:$0x3FA8] =	sst s8  }
0x11: {  	[smem:$0x3FA9] =	sst s9;
	s0 =	simm.s32 @!p0 $0x0  }
0x12: {  	s1 =	sld [smem:$0x3F8F];
	s0 =	simm.s32 @p0 $0x1  }
0x13: {  	[smem:$0x3FAA] =	sst s0;
	s0 =	simm.s32 @!p1 $0x0  }
0x14: {  	s2 =	sld [smem:$0x3F8E];
	s0 =	simm.s32 @p1 $0x1  }
0x15: {  	[smem:$0x3FAB] =	sst s0;
	s0 =	simm.s32 @!p2 $0x0  }
0x16: {  	s3 =	sld [smem:$0x3FDB];
	s0 =	simm.s32 @p2 $0x1  }
0x17: {  	s4 =	simm.s32 $0x1BF5;
	[smem:$0x3FAD] =	sst s0  }
0x18: {  	s0 =	sld [smem:$0x3F90];
	_ =	swait.ge [sflag:s4], $0x0  }
0x19: {  	s7 =	sld [smem:$0x3F91]  }
0x1a: {  	s8 =	sadd.s32 $0xFFFFE003, lr  }
0x1b: {  	s9 =	sadd.s32 $0xFFFFFEF7, lr;
	s5 =	simm.s32 $0xFFFFFFFF;
	p2 =	slt.u32 s8, $0xFFFFF086  }
0x1c: {  	p1 =	slt.u32 s9, $0xF7A;
	s5 =	simm.s32 @!p2 $0x0  }
0x1d: {  	s5 =	simm.s32 @p1 $0x1;
	p0 =	seq.s32 s7, s2  }
0x1e: {  	s7 =	smul.u32 @!p0 $0xF7A, s2;
	p2 =	seq.s32 @!p0 s5, $0x0  }
0x1f: {  	s9 =	smul.u32 $0xF7A, s1;
	s8 =	simm.s32 @!p0 $0x1BF5;
	p2 =	por !p2, p0  }
0x20: {  	[sflag:s8] =	ssyncset.s32 @!p0 $0xFFFFF086;
	s6 =	sadd.s32 @!p0 s3, s7;
	s7 =	simm.s32 @!p0 $0x108  }
0x21: {  	s3 =	sadd.s32 s3, s9;
	s6 =	sadd.s32 @!p0 $0x88, s6;
	s7 =	simm.s32 @p2 $0x1082  }
0x22: {  	[simem:s7], [sflag:s8] =	dma.local @!p0 [hbm:s6], $0xF7A  }
0x23: {  	s9 =	sor.u32 $0xD0000000, s2;
	s6 =	simm.s32 $0x108;
	_ =	swait.ge @!p0 [sflag:s8], $0x0  }
0x24: {  	s3 =	sadd.s32 $0x88, s3;
	s6 =	simm.s32 @!p1 $0x1082;
	[sflag:s4] =	ssyncset.s32 $0xFFFFF086  }
0x25: {  	[simem:s6], [sflag:s4] =	dma.local [hbm:s3], $0xF7A  }
0x26: {  	[smem:$0x3F91] =	sst s1;
	(tag) =	ssettag s2;
	_ =	strace s9  }
0x27: {  	s1 =	sld [smem:$0x3FA1]  }
0x28: {  	s2 =	sld [smem:$0x3FA2]  }
0x29: {  	s4 =	sld [smem:$0x3FA4]  }
0x2a: {  	p0 =	seq.s32 s5, $0x0;
	s5 =	sld [smem:$0x3FA5]  }
0x2b: {  	s6 =	sld [smem:$0x3FA6]  }
0x2c: {  	s7 =	sld [smem:$0x3FA7]  }
0x2d: {  	s3 =	simm.s32 $0x108;
	s8 =	sld [smem:$0x3FA8]  }
0x2e: {  	s3 =	simm.s32 @!p0 $0x1082;
	s9 =	sld [smem:$0x3FA9]  }
0x2f: {  	lr =	sadd.s32 s0, s3;
	s0 =	sld [smem:$0x3FA0]  }
0x30: {  	s3 =	sld [smem:$0x3FA3]  }
0x31: {  	[smem:$0x3FAC] =	sst s10  }
0x32: {  	s10 =	sld [smem:$0x3FAA];
	_ =	sdelay $0x3  }
0x33: {  	p0 =	seq.s32 s10, $0x1;
	s10 =	sld [smem:$0x3FAC];
	_ =	sdelay $0x3  }
0x34: {  	[smem:$0x3FAC] =	sst s10  }
0x35: {  	s10 =	sld [smem:$0x3FAB];
	_ =	sdelay $0x3  }
0x36: {  	p1 =	seq.s32 s10, $0x1;
	s10 =	sld [smem:$0x3FAC];
	_ =	sdelay $0x3  }
0x37: {  	[smem:$0x3FAC] =	sst s10  }
0x38: {  	s10 =	sld [smem:$0x3FAD]  }
0x39: {  	_ = 	snop;
	(pc) =	sbr.ind lr, $3  }
0x3a: {  	_ = 	snop  }
0x3b: {  	_ = 	snop  }
0x3c: {  	p2 =	seq.s32 s10, $0x1;
	s10 =	sld [smem:$0x3FAC]  }
0x3d: {  	_ =	shalt  }
0x3e: {  	_ =	shalt  }
0x3f: {  	_ =	shalt  }
0x40: {  	_ =	shalt  }
0x41: {  	_ =	shalt  }
0x42: {  	_ =	shalt  }
0x43: {  	_ =	shalt  }
0x44: {  	_ =	shalt  }
0x45: {  	_ =	shalt  }
0x46: {  	_ =	shalt  }
0x47: {  	_ =	shalt  }
0x48: {  	_ =	shalt  }
0x49: {  	_ =	shalt  }
0x4a: {  	_ =	shalt  }
0x4b: {  	_ =	shalt  }
0x4c: {  	_ =	shalt  }
0x4d: {  	_ =	shalt  }
0x4e: {  	_ =	shalt  }
0x4f: {  	_ =	shalt  }
0x50: {  	_ =	shalt  }
0x51: {  	_ =	shalt  }
0x52: {  	_ =	shalt  }
0x53: {  	_ =	shalt  }
0x54: {  	_ =	shalt  }
0x55: {  	_ =	shalt  }
0x56: {  	_ =	shalt  }
0x57: {  	_ =	shalt  }
0x58: {  	_ =	shalt  }
0x59: {  	_ =	shalt  }
0x5a: {  	_ =	shalt  }
0x5b: {  	_ =	shalt  }
0x5c: {  	_ =	shalt  }
0x5d: {  	_ =	shalt  }
0x5e: {  	_ =	shalt  }
0x5f: {  	_ =	shalt  }
0x60: {  	_ =	shalt  }
0x61: {  	_ =	shalt  }
0x62: {  	_ =	shalt  }
0x63: {  	_ =	shalt  }
0x64: {  	_ =	shalt  }
0x65: {  	_ =	shalt  }
0x66: {  	_ =	shalt  }
0x67: {  	_ =	shalt  }
0x68: {  	_ =	shalt  }
0x69: {  	_ =	shalt  }
0x6a: {  	_ =	shalt  }
0x6b: {  	_ =	shalt  }
0x6c: {  	_ =	shalt  }
0x6d: {  	_ =	shalt  }
0x6e: {  	_ =	shalt  }
0x6f: {  	_ =	shalt  }
0x70: {  	_ =	shalt  }
0x71: {  	_ =	shalt  }
0x72: {  	_ =	shalt  }
0x73: {  	_ =	shalt  }
0x74: {  	_ =	shalt  }
0x75: {  	_ =	shalt  }
0x76: {  	_ =	shalt  }
0x77: {  	_ =	shalt  }
0x78: {  	_ =	shalt  }
0x79: {  	_ =	shalt  }
0x7a: {  	_ =	shalt  }
0x7b: {  	_ =	shalt  }
0x7c: {  	_ =	shalt  }
0x7d: {  	_ =	shalt  }
0x7e: {  	_ =	shalt  }
0x7f: {  	_ =	shalt  }
0x80: {  	_ =	shalt  }
0x81: {  	_ =	shalt  }
0x82: {  	_ =	shalt  }
0x83: {  	_ =	shalt  }
0x84: {  	_ =	shalt  }
0x85: {  	_ =	shalt  }
0x86: {  	_ =	shalt  }
0x87: {  	_ =	shalt  }
.Lfunc_end0:
.L_simem_size_0:
called_computation_lowered:
.L_overlay_start_0:
0x88: {  	s2 =	sld [smem:$0x3FD9]  }
0x89: {  	s3 =	sld [smem:$0x3FFE];
	_ =	sdelay $0x1  }
0x8a: {  	s1 =	srdreg.scid  }
0x8b: {  	s0 =	sand.u32 $0x1, s1  }
0x8c: {  	s16 =	sshll.u32 s0, $0xA;
	s2 =	sadd.s32 s3, s2  }
0x8d: {  	s2 =	sadd.s32 s2, s16  }
0x8e: {  	[smem:$0x3FB8] =	sst s2  }
0x8f: {  	_ = 	snop  }
0x90: {  	(tm) =	ssettm $0x1  }
0x91: {  	s17 =	sld [smem:$0x3FFB];
	_ =	sdelay $0x3  }
0x92: {  	_ =	strace s17  }
0x93: {  	s2 =	sld [smem:$0x3FFC];
	_ =	sdelay $0x3  }
0x94: {  	_ =	strace s2  }
0x95: {  	s2 =	sld [smem:$0x3FFD];
	_ =	sdelay $0x3  }
0x96: {  	_ =	strace s2  }
0x97: {  	_ =	strace $0x8FFFFFFF  }
0x98: {  	s18 =	sld [smem:$0x3FDB];
	_ =	sdelay $0x1  }
0x99: {  	s19 =	simm.s32 $_scs_section_size  }
0x9a: {  	s4 =	simm.s32 $_size__tile_overlayer_lowered;
	s5 =	simm.s32 $_tile_overlayer_lowered  }
0x9b: {  	s22 =	simm.s32 $0x1BFF;
	s21 =	sshll.u32 s5, $0x1;
	s2 =	sadd.s32 s19, s18  }
0x9c: {  	s6 =	simm.s32 $0x0;
	s20 =	sshll.u32 s4, $0x1;
	s4 =	sadd.s32 s21, s2  }
0x9d: {  	[timem:s6], [sflag:s22] =	dma.local [hbm:s4], s20  }
0x9e: {  	_ =	swait.ge [sflag:s22], s20  }
0x9f: {  	s3 =	ssub.s32 $0x0, s20;
	[sflag:s22] =	ssyncset.done $0x0  }
0xa0: {  	[sflag:s22] =	ssyncadd.s32 s3;
	_ =	sdelay $0x1  }
0xa1: {  	s23 =	simm.s32 $0x1B8B  }
0xa2: {  	_ =	swait.ge [sflag:s23], $0x1  }
0xa3: {  	[sflag:s23] =	ssyncset.done $0x0  }
0xa4: {  	s25 =	simm.s32 $0x1B8E;
	s24 =	sld [smem:$0x3FFE];
	[sflag:s23] =	ssyncadd.s32 $0xFFFFFFFF  }
0xa5: {  	s26 =	simm.s32 $execute0_lowered;
	[smem:$0x3FD2] =	sst s25  }
0xa6: {  	s4 =	sshll.u32 s26, $0x1;
	_ =	strace $0x80000046;
	[dreg:$0x1] =	wrdreg $0xFFFFFFFF  }
0xa7: {  	s28 =	simm.s32 $_size_execute0_lowered;
	s2 =	sadd.s32 s2, s4;
	[dreg:$0x0] =	wrdreg $0x0  }
0xa8: {  	s4 =	sshll.u32 s28, $0x1;
	[dreg:$0x2] =	wrdreg s2  }
0xa9: {  	[dreg:$0x3] =	wrdreg s4  }
0xaa: {  	[dreg:$0x4] =	wrdreg $0xC0  }
0xab: {  	_ =	task [dreg:s6], $0x5FFFF  }
0xac: {  	[dreg:$0x1] =	wrdreg $0xFFFFFFFF  }
0xad: {  	[dreg:$0x0] =	wrdreg $0x60  }
0xae: {  	[dreg:$0x2] =	wrdreg s24  }
0xaf: {  	[dreg:$0x3] =	wrdreg $0x0  }
0xb0: {  	[dreg:$0x4] =	wrdreg $0x9  }
0xb1: {  	_ =	task.clear_ibuf [dreg:s6], $0x5FFFF;
	_ =	strace $0x90000046  }
0xb2: {  	s29 =	simm.s32 $0x9;
	_ =	strace $0x80000048  }
0xb3: {  	_ =	swait.ge [sflag:s29], $0x1  }
0xb4: {  	[sflag:s29] =	ssyncadd.s32 $0xFFFFFFFF  }
0xb5: {  	_ =	strace $0x90000048  }
0xb6: {  	_ =	sfence  }
0xb7: {  	s30 =	sld [smem:$0x0];
	_ =	sdelay $0x2  }
0xb8: {  	s31 =	sshll.u32 s1, $0xD;
	s1 =	sshrl.u32 s1, $0x2  }
0xb9: {  	s3 =	sand.u32 $0x4000, s31;
	s1 =	sadd.s32 s1, s30  }
0xba: {  	s0 =	sor.u32 s3, s0;
	s1 =	sshll.u32 s1, $0x11  }
0xbb: {  	s0 =	sor.u32 s1, s0  }
0xbc: {  	s0 =	sadd.s32 $0x8F2B, s0  }
0xbd: {  	[sflag:s0] =	ssyncadd.remote.s32 $0x1  }
0xbe: {  	_ =	sfence.sel $0xFFFF  }
0xbf: {  	[dreg:$0x0] =	wrdreg $0xFFFFFFFF;
	(pc) =	sbr.abs _section_cstart, $3  }
0xc0: {  	[dreg:$0x1] =	wrdreg $0xFFFFFFFF  }
0xc1: {  	_ =	task.clear_ibuf [dreg:s6], $0x2FFFF;
	_ =	strace $0x9FFFFFFF  }
0xc2: {  	(tm) =	ssettm $0x7FFFFFFF  }
0xc3: {  	_ =	shalt  }
tec
execute0_lowered:
.L_overlay_start_1:
0x0: {  	(tag) =	ssettag $0x1  }
0x1: {  	s1 =	srdreg.scid;
	s6 =	rddreg [dreg:$0x0]  }
0x2: {  	s0 =	stileid.u32;
	s2 =	rddreg [dreg:$0x1]  }
0x3: {  	s3 =	simm.s32 $0x0;
	s14 =	simm.s32 $0x80;
	s15 =	simm.s32 $0x0  }
0x4: {  	s5 =	sand.u32 $0x1, s1;
	s30 =	sshll.u32 s0, $0x1;
	s8 =	smul.u32 $0x13C00, s0  }
0x5: {  	[smem:$0x7FF] =	sst s3;
	s10 =	smul.u32 $0x4F000, s0;
	s12 =	sshll.u32 s0, $0x6  }
0x6: {  	s1 =	sor.u32 s5, s30;
	s7 =	smul.u32 $0x13C000, s5;
	s31 =	ssub.s32 $0x2, s5  }
0x7: {  	s5 =	sadd.s32 $0xEC00, s6;
	s12 =	sor.u32 $0x1C01, s12;
	s4 =	smul.u32 $0x500, s1  }
0x8: {  	s1 =	rddreg [dreg:$0x2];
	_ =	strace $0x80000047;
	s11 =	sshrl.u32 s31, $0x1  }
0x9: {  	s10 =	sshrl.u32 s10, $0x2;
	s7 =	sadd.s32 s8, s7;
	s8 =	ssub.s32 s31, s11  }
0xa: {  	s13 =	sadd.s32 s10, s2;
	s10 =	simm.s32 $0x1;
	s11 =	simm.s32 $0x16400  }
0xb: {  	s9 =	sadd.s32 s4, s6;
	s4 =	sadd.s32 $0x11400, s6;
	s7 =	sshrl.u32 s7, $0x3  }
0xc: {  	s8 =	smax.u32 s8, $0x1;
	s13 =	sshrl.u32 s13, $0x3;
	s7 =	sadd.s32 s7, s6  }
0xd: {  	s6 =	sadd.s32 $0x4C00, s9;
	s9 =	simm.s32 $0x13C00;
	s7 =	sadd.s32 $0x11C00, s7  }
.LBB2_1:
0xe: {  	[tilespmem:s9], [sflag:$0x1] =	stream.linear.gather [hbm4b:s6+s3], $0x2780, $0x38;
	[tilespmem:$0x1A400] =	vst v63  }
0xf: {  	_ =	swait.ge [sflag:s10], $0x2780  }
0x10: {  	[sflag:s10] =	ssyncset.done $0x0  }
0x11: {  	[sflag:s10] =	ssyncadd.s32 $0xFFFFD880  }
0x12: {  	[tilespmem:s11], [sflag:$0x1] =	stream.linear.gather [hbm4b:s4+s3], $0x4000, $0x38;
	[tilespmem:$0x1A400] =	vst v63  }
0x13: {  	_ =	swait.ge [sflag:s10], $0x4000  }
0x14: {  	[sflag:s10] =	ssyncset.done $0x0  }
0x15: {  	[sflag:s10] =	ssyncadd.s32 $0xFFFFC000  }
0x16: {  	[spmem:s13], [sflag:s12] =	dma.local [hbm:s5], $0x2780  }
0x17: {  	_ =	swait.ge [sflag:s10], $0x2780  }
0x18: {  	[sflag:s10] =	ssyncset.done $0x0  }
0x19: {  	[sflag:s10] =	ssyncadd.s32 $0xFFFFD880  }
0x1a: {  	s16 =	simm.s32 $0x13C00;
	[bflag:$0x0] =	sbarrier.arrive $0xFFFF  }
0x1b: {  	[spmem:s2] =	stream.indirect.scatter.add.f32 [tilespmem:s11], [sflag:$0x1], $0x80, s16, s14, $0xb8;
	[tilespmem:$0x1A400] =	vst v63  }
0x1c: {  	s16 =	simm.s32 $0x200;
	_ =	swait.ge [sflag:s10], $0x4000  }
.LBB2_2:
0x1d: {  	s17 =	sshra.s32 s16, $0x2;
	[sflag:s10] =	ssyncset.done $0x0;
	p0 =	sne.s32 s16, $0x9C00  }
.Ltmp0:
0x1e: {  	s17 =	sadd.s32 $0x13C00, s17;
	[sflag:s10] =	ssyncadd.s32 $0xFFFFC000;
	(pc) =	sbr.rel @p0 .LBB2_2-.Ltmp0, $3  }
0x1f: {  	[spmem:s2] =	stream.indirect.scatter.add.f32 [tilespmem:s11], [sflag:$0x1], $0x80, s17, s14, $0xb8;
	[tilespmem:$0x1A400] =	vst v63  }
0x20: {  	s16 =	sadd.s32 $0x200, s16;
	_ =	sdelay $0x1  }
0x21: {  	_ =	swait.ge [sflag:s10], $0x4000  }
0x22: {  	[sflag:s10] =	ssyncset.done $0x0;
	s15 =	sadd.s32 $0x1, s15  }
0x23: {  	[sflag:s10] =	ssyncadd.s32 $0xFFFFC000;
	p0 =	sne.s32 s15, s8  }
.Ltmp1:
0x24: {  	[bflag:$0x0] =	sbarrier.arrive $0xFFFF;
	(pc) =	sbr.rel @p0 .LBB2_1-.Ltmp1, $4  }
0x25: {  	[hbm:s7], [sflag:s12] =	dma.local [spmem:s13], $0x2780  }
0x26: {  	_ =	swait.ge [sflag:s10], $0x2780  }
0x27: {  	[sflag:s10] =	ssyncset.done $0x0  }
0x28: {  	[sflag:s10] =	ssyncadd.s32 $0xFFFFD880  }
0x29: {  	_ =	sfence.sel $0x180000  }
0x2a: {  	[bflag:$0x0] =	sbarrier.arrive $0xFFFF  }
0x2b: {  	p0 =	sne.s32 s0, $0x0;
	_ =	strace $0x90000047  }
0x2c: {  	s0 =	sadd.s32 @!p0 $0x100000, s1;
	[bflag:$0x2] =	sbarrier.arrive $0xFFFF  }
0x2d: {  	[sflag:s0] =	ssyncadd.tile.s32 @!p0 $0x1;
	_ =	shalt  }
.Lfunc_end2:
_tile_overlayer_lowered:
.L_overlay_start_2:
0x2e: {  	(tag) =	ssettag $0x2  }
0x2f: {  	s0 =	rddreg [dreg:$0x0];
	s2 =	stileid.u32  }
0x30: {  	s1 =	rddreg [dreg:$0x1];
	p0 =	sne.s32 s2, $0x0  }
0x31: {  	s3 =	rddreg [dreg:$0x2];
	[bflag:$0x3] =	sbarrier.arrive $0xFFFF;
	s2 =	simm.s32 @!p0 $0x1C01  }
0x32: {  	[timem:s3], [sflag:s2] =	dma.local @!p0 [hbm:s0], s1  }
0x33: {  	s0 =	simm.s32 @!p0 $0x1  }
0x34: {  	_ =	swait.ge @!p0 [sflag:s0], s1  }
0x35: {  	s1 =	ssub.s32 @!p0 $0x0, s1;
	[sflag:s0] =	ssyncset.done @!p0 $0x0  }
0x36: {  	[sflag:s0] =	ssyncadd.s32 @!p0 s1  }
0x37: {  	[bflag:$0x3] =	sbarrier.arrive $0xFFFF  }
0x38: {  	_ =	shalt  }

// kernel: kernel.14.cloned.1.call-start
scs
__scs_entry_jumppad:
0x0: {  	(pc) =	sbr.rel $0x88, $3  }
0x1: {  	(tag) =	ssettag $0x0;
	lr =	simm.s32 $0x1  }
0x2: {  	[smem:$0x3F91] =	sst lr;
	_ =	strace $0xD0000000  }
0x3: {  	_ = 	snop  }
0x4: {  	_ = 	snop  }
0x5: {  	_ = 	snop  }
0x6: {  	_ = 	snop  }
0x7: {  	_ = 	snop  }
__scs_overlays_trampoline_lowered:
0x8: {  	[smem:$0x3FA0] =	sst s0  }
0x9: {  	[smem:$0x3FA1] =	sst s1  }
0xa: {  	[smem:$0x3FA2] =	sst s2  }
0xb: {  	[smem:$0x3FA3] =	sst s3  }
0xc: {  	[smem:$0x3FA4] =	sst s4  }
0xd: {  	[smem:$0x3FA5] =	sst s5  }
0xe: {  	[smem:$0x3FA6] =	sst s6  }
0xf: {  	[smem:$0x3FA7] =	sst s7  }
0x10: {  	[smem:$0x3FA8] =	sst s8  }
0x11: {  	[smem:$0x3FA9] =	sst s9;
	s0 =	simm.s32 @!p0 $0x0  }
0x12: {  	s1 =	sld [smem:$0x3F8F];
	s0 =	simm.s32 @p0 $0x1  }
0x13: {  	[smem:$0x3FAA] =	sst s0;
	s0 =	simm.s32 @!p1 $0x0  }
0x14: {  	s2 =	sld [smem:$0x3F8E];
	s0 =	simm.s32 @p1 $0x1  }
0x15: {  	[smem:$0x3FAB] =	sst s0;
	s0 =	simm.s32 @!p2 $0x0  }
0x16: {  	s3 =	sld [smem:$0x3FDB];
	s0 =	simm.s32 @p2 $0x1  }
0x17: {  	s4 =	simm.s32 $0x1BF5;
	[smem:$0x3FAD] =	sst s0  }
0x18: {  	s0 =	sld [smem:$0x3F90];
	_ =	swait.ge [sflag:s4], $0x0  }
0x19: {  	s7 =	sld [smem:$0x3F91]  }
0x1a: {  	s8 =	sadd.s32 $0xFFFFE003, lr  }
0x1b: {  	s9 =	sadd.s32 $0xFFFFFEF7, lr;
	s5 =	simm.s32 $0xFFFFFFFF;
	p2 =	slt.u32 s8, $0xFFFFF086  }
0x1c: {  	p1 =	slt.u32 s9, $0xF7A;
	s5 =	simm.s32 @!p2 $0x0  }
0x1d: {  	s5 =	simm.s32 @p1 $0x1;
	p0 =	seq.s32 s7, s2  }
0x1e: {  	s7 =	smul.u32 @!p0 $0xF7A, s2;
	p2 =	seq.s32 @!p0 s5, $0x0  }
0x1f: {  	s9 =	smul.u32 $0xF7A, s1;
	s8 =	simm.s32 @!p0 $0x1BF5;
	p2 =	por !p2, p0  }
0x20: {  	[sflag:s8] =	ssyncset.s32 @!p0 $0xFFFFF086;
	s6 =	sadd.s32 @!p0 s3, s7;
	s7 =	simm.s32 @!p0 $0x108  }
0x21: {  	s3 =	sadd.s32 s3, s9;
	s6 =	sadd.s32 @!p0 $0x88, s6;
	s7 =	simm.s32 @p2 $0x1082  }
0x22: {  	[simem:s7], [sflag:s8] =	dma.local @!p0 [hbm:s6], $0xF7A  }
0x23: {  	s9 =	sor.u32 $0xD0000000, s2;
	s6 =	simm.s32 $0x108;
	_ =	swait.ge @!p0 [sflag:s8], $0x0  }
0x24: {  	s3 =	sadd.s32 $0x88, s3;
	s6 =	simm.s32 @!p1 $0x1082;
	[sflag:s4] =	ssyncset.s32 $0xFFFFF086  }
0x25: {  	[simem:s6], [sflag:s4] =	dma.local [hbm:s3], $0xF7A  }
0x26: {  	[smem:$0x3F91] =	sst s1;
	(tag) =	ssettag s2;
	_ =	strace s9  }
0x27: {  	s1 =	sld [smem:$0x3FA1]  }
0x28: {  	s2 =	sld [smem:$0x3FA2]  }
0x29: {  	s4 =	sld [smem:$0x3FA4]  }
0x2a: {  	p0 =	seq.s32 s5, $0x0;
	s5 =	sld [smem:$0x3FA5]  }
0x2b: {  	s6 =	sld [smem:$0x3FA6]  }
0x2c: {  	s7 =	sld [smem:$0x3FA7]  }
0x2d: {  	s3 =	simm.s32 $0x108;
	s8 =	sld [smem:$0x3FA8]  }
0x2e: {  	s3 =	simm.s32 @!p0 $0x1082;
	s9 =	sld [smem:$0x3FA9]  }
0x2f: {  	lr =	sadd.s32 s0, s3;
	s0 =	sld [smem:$0x3FA0]  }
0x30: {  	s3 =	sld [smem:$0x3FA3]  }
0x31: {  	[smem:$0x3FAC] =	sst s10  }
0x32: {  	s10 =	sld [smem:$0x3FAA];
	_ =	sdelay $0x3  }
0x33: {  	p0 =	seq.s32 s10, $0x1;
	s10 =	sld [smem:$0x3FAC];
	_ =	sdelay $0x3  }
0x34: {  	[smem:$0x3FAC] =	sst s10  }
0x35: {  	s10 =	sld [smem:$0x3FAB];
	_ =	sdelay $0x3  }
0x36: {  	p1 =	seq.s32 s10, $0x1;
	s10 =	sld [smem:$0x3FAC];
	_ =	sdelay $0x3  }
0x37: {  	[smem:$0x3FAC] =	sst s10  }
0x38: {  	s10 =	sld [smem:$0x3FAD]  }
0x39: {  	_ = 	snop;
	(pc) =	sbr.ind lr, $3  }
0x3a: {  	_ = 	snop  }
0x3b: {  	_ = 	snop  }
0x3c: {  	p2 =	seq.s32 s10, $0x1;
	s10 =	sld [smem:$0x3FAC]  }
0x3d: {  	_ =	shalt  }
0x3e: {  	_ =	shalt  }
0x3f: {  	_ =	shalt  }
0x40: {  	_ =	shalt  }
0x41: {  	_ =	shalt  }
0x42: {  	_ =	shalt  }
0x43: {  	_ =	shalt  }
0x44: {  	_ =	shalt  }
0x45: {  	_ =	shalt  }
0x46: {  	_ =	shalt  }
0x47: {  	_ =	shalt  }
0x48: {  	_ =	shalt  }
0x49: {  	_ =	shalt  }
0x4a: {  	_ =	shalt  }
0x4b: {  	_ =	shalt  }
0x4c: {  	_ =	shalt  }
0x4d: {  	_ =	shalt  }
0x4e: {  	_ =	shalt  }
0x4f: {  	_ =	shalt  }
0x50: {  	_ =	shalt  }
0x51: {  	_ =	shalt  }
0x52: {  	_ =	shalt  }
0x53: {  	_ =	shalt  }
0x54: {  	_ =	shalt  }
0x55: {  	_ =	shalt  }
0x56: {  	_ =	shalt  }
0x57: {  	_ =	shalt  }
0x58: {  	_ =	shalt  }
0x59: {  	_ =	shalt  }
0x5a: {  	_ =	shalt  }
0x5b: {  	_ =	shalt  }
0x5c: {  	_ =	shalt  }
0x5d: {  	_ =	shalt  }
0x5e: {  	_ =	shalt  }
0x5f: {  	_ =	shalt  }
0x60: {  	_ =	shalt  }
0x61: {  	_ =	shalt  }
0x62: {  	_ =	shalt  }
0x63: {  	_ =	shalt  }
0x64: {  	_ =	shalt  }
0x65: {  	_ =	shalt  }
0x66: {  	_ =	shalt  }
0x67: {  	_ =	shalt  }
0x68: {  	_ =	shalt  }
0x69: {  	_ =	shalt  }
0x6a: {  	_ =	shalt  }
0x6b: {  	_ =	shalt  }
0x6c: {  	_ =	shalt  }
0x6d: {  	_ =	shalt  }
0x6e: {  	_ =	shalt  }
0x6f: {  	_ =	shalt  }
0x70: {  	_ =	shalt  }
0x71: {  	_ =	shalt  }
0x72: {  	_ =	shalt  }
0x73: {  	_ =	shalt  }
0x74: {  	_ =	shalt  }
0x75: {  	_ =	shalt  }
0x76: {  	_ =	shalt  }
0x77: {  	_ =	shalt  }
0x78: {  	_ =	shalt  }
0x79: {  	_ =	shalt  }
0x7a: {  	_ =	shalt  }
0x7b: {  	_ =	shalt  }
0x7c: {  	_ =	shalt  }
0x7d: {  	_ =	shalt  }
0x7e: {  	_ =	shalt  }
0x7f: {  	_ =	shalt  }
0x80: {  	_ =	shalt  }
0x81: {  	_ =	shalt  }
0x82: {  	_ =	shalt  }
0x83: {  	_ =	shalt  }
0x84: {  	_ =	shalt  }
0x85: {  	_ =	shalt  }
0x86: {  	_ =	shalt  }
0x87: {  	_ =	shalt  }
.Lfunc_end0:
.L_simem_size_0:
called_computation.1_lowered:
.L_overlay_start_0:
0x88: {  	s2 =	sld [smem:$0x3FD9]  }
0x89: {  	s3 =	sld [smem:$0x3FFE];
	_ =	sdelay $0x1  }
0x8a: {  	s1 =	srdreg.scid  }
0x8b: {  	s0 =	sand.u32 $0x1, s1  }
0x8c: {  	s16 =	sshll.u32 s0, $0xA;
	s2 =	sadd.s32 s3, s2  }
0x8d: {  	s2 =	sadd.s32 s2, s16  }
0x8e: {  	[smem:$0x3FB8] =	sst s2  }
0x8f: {  	_ = 	snop  }
0x90: {  	(tm) =	ssettm $0x1  }
0x91: {  	s17 =	sld [smem:$0x3FFB];
	_ =	sdelay $0x3  }
0x92: {  	_ =	strace s17  }
0x93: {  	s2 =	sld [smem:$0x3FFC];
	_ =	sdelay $0x3  }
0x94: {  	_ =	strace s2  }
0x95: {  	s2 =	sld [smem:$0x3FFD];
	_ =	sdelay $0x3  }
0x96: {  	_ =	strace s2  }
0x97: {  	_ =	strace $0x8FFFFFFF  }
0x98: {  	s18 =	sld [smem:$0x3FDB];
	_ =	sdelay $0x1  }
0x99: {  	s19 =	simm.s32 $_scs_section_size  }
0x9a: {  	s4 =	simm.s32 $_size__tile_overlayer_lowered;
	s5 =	simm.s32 $_tile_overlayer_lowered  }
0x9b: {  	s22 =	simm.s32 $0x1BFF;
	s21 =	sshll.u32 s5, $0x1;
	s2 =	sadd.s32 s19, s18  }
0x9c: {  	s6 =	simm.s32 $0x0;
	s20 =	sshll.u32 s4, $0x1;
	s4 =	sadd.s32 s21, s2  }
0x9d: {  	[timem:s6], [sflag:s22] =	dma.local [hbm:s4], s20  }
0x9e: {  	_ =	swait.ge [sflag:s22], s20  }
0x9f: {  	s3 =	ssub.s32 $0x0, s20;
	[sflag:s22] =	ssyncset.done $0x0  }
0xa0: {  	[sflag:s22] =	ssyncadd.s32 s3;
	_ =	sdelay $0x1  }
0xa1: {  	s23 =	simm.s32 $0x1B8B  }
0xa2: {  	_ =	swait.ge [sflag:s23], $0x1  }
0xa3: {  	[sflag:s23] =	ssyncset.done $0x0  }
0xa4: {  	s25 =	simm.s32 $0x1B8E;
	s24 =	sld [smem:$0x3FFE];
	[sflag:s23] =	ssyncadd.s32 $0xFFFFFFFF  }
0xa5: {  	s26 =	simm.s32 $execute0_lowered;
	[smem:$0x3FD2] =	sst s25  }
0xa6: {  	s4 =	sshll.u32 s26, $0x1;
	_ =	strace $0x80000049;
	[dreg:$0x1] =	wrdreg $0xFFFFFFFF  }
0xa7: {  	s28 =	simm.s32 $_size_execute0_lowered;
	s2 =	sadd.s32 s2, s4;
	[dreg:$0x0] =	wrdreg $0x0  }
0xa8: {  	s4 =	sshll.u32 s28, $0x1;
	[dreg:$0x2] =	wrdreg s2  }
0xa9: {  	[dreg:$0x3] =	wrdreg s4  }
0xaa: {  	[dreg:$0x4] =	wrdreg $0xC0  }
0xab: {  	_ =	task [dreg:s6], $0x5FFFF  }
0xac: {  	[dreg:$0x1] =	wrdreg $0xFFFFFFFF  }
0xad: {  	[dreg:$0x0] =	wrdreg $0x60  }
0xae: {  	[dreg:$0x2] =	wrdreg s24  }
0xaf: {  	[dreg:$0x3] =	wrdreg $0x0  }
0xb0: {  	[dreg:$0x4] =	wrdreg $0x9  }
0xb1: {  	_ =	task.clear_ibuf [dreg:s6], $0x5FFFF;
	_ =	strace $0x90000049  }
0xb2: {  	s29 =	simm.s32 $0x9;
	_ =	strace $0x8000004B  }
0xb3: {  	_ =	swait.ge [sflag:s29], $0x1  }
0xb4: {  	[sflag:s29] =	ssyncadd.s32 $0xFFFFFFFF  }
0xb5: {  	_ =	strace $0x9000004B  }
0xb6: {  	_ =	sfence  }
0xb7: {  	s30 =	sld [smem:$0x0];
	_ =	sdelay $0x2  }
0xb8: {  	s31 =	sshll.u32 s1, $0xD;
	s1 =	sshrl.u32 s1, $0x2  }
0xb9: {  	s3 =	sand.u32 $0x4000, s31;
	s1 =	sadd.s32 s1, s30  }
0xba: {  	s0 =	sor.u32 s3, s0;
	s1 =	sshll.u32 s1, $0x11  }
0xbb: {  	s0 =	sor.u32 s1, s0  }
0xbc: {  	s0 =	sadd.s32 $0x8F2B, s0  }
0xbd: {  	[sflag:s0] =	ssyncadd.remote.s32 $0x1  }
0xbe: {  	_ =	sfence.sel $0xFFFF  }
0xbf: {  	[dreg:$0x0] =	wrdreg $0xFFFFFFFF;
	(pc) =	sbr.abs _section_cstart, $3  }
0xc0: {  	[dreg:$0x1] =	wrdreg $0xFFFFFFFF  }
0xc1: {  	_ =	task.clear_ibuf [dreg:s6], $0x2FFFF;
	_ =	strace $0x9FFFFFFF  }
0xc2: {  	(tm) =	ssettm $0x7FFFFFFF  }
0xc3: {  	_ =	shalt  }
tec
execute0_lowered:
.L_overlay_start_1:
0x0: {  	(tag) =	ssettag $0x1  }
0x1: {  	s1 =	srdreg.scid  }
0x2: {  	s0 =	stileid.u32;
	s6 =	rddreg [dreg:$0x0]  }
0x3: {  	s2 =	rddreg [dreg:$0x1];
	s3 =	simm.s32 $0x0;
	s12 =	simm.s32 $0x16400  }
0x4: {  	s15 =	simm.s32 $0x80;
	s16 =	simm.s32 $0x18C00;
	s17 =	simm.s32 $0x0  }
0x5: {  	s5 =	sand.u32 $0x1, s1;
	s29 =	sshll.u32 s0, $0x1;
	s9 =	smul.u32 $0x13C00, s0  }
0x6: {  	[smem:$0x7FF] =	sst s3;
	s4 =	sadd.s32 $0x11400, s6;
	s11 =	smul.u32 $0x4F000, s0  }
0x7: {  	s13 =	sshll.u32 s0, $0x6;
	s1 =	sor.u32 s5, s29;
	s8 =	smul.u32 $0x13C000, s5  }
0x8: {  	s30 =	ssub.s32 $0x2, s5;
	s5 =	sadd.s32 $0xEC00, s6;
	s13 =	sor.u32 $0x1C01, s13  }
0x9: {  	s7 =	smul.u32 $0x500, s1;
	s1 =	rddreg [dreg:$0x2];
	_ =	strace $0x8000004A  }
0xa: {  	s10 =	sshrl.u32 s30, $0x1;
	s31 =	sshrl.u32 s11, $0x2;
	s11 =	simm.s32 $0x1  }
0xb: {  	s8 =	sadd.s32 s9, s8;
	s9 =	ssub.s32 s30, s10;
	s14 =	sadd.s32 s31, s2  }
0xc: {  	s10 =	simm.s32 $0x13C00;
	s7 =	sadd.s32 s7, s6;
	s8 =	sshrl.u32 s8, $0x3  }
0xd: {  	s9 =	smax.u32 s9, $0x1;
	s14 =	sshrl.u32 s14, $0x3;
	s8 =	sadd.s32 s8, s6  }
0xe: {  	s6 =	sadd.s32 $0x60C00, s7;
	s7 =	sadd.s32 $0x4C00, s7;
	s8 =	sadd.s32 $0x6AC00, s8  }
.LBB2_1:
0xf: {  	[tilespmem:s10], [sflag:$0x1] =	stream.linear.gather [hbm4b:s6+s3], $0x2780, $0x38;
	[tilespmem:$0x1CC00] =	vst v63  }
0x10: {  	_ =	swait.ge [sflag:s11], $0x2780  }
0x11: {  	[sflag:s11] =	ssyncset.done $0x0  }
0x12: {  	[sflag:s11] =	ssyncadd.s32 $0xFFFFD880  }
0x13: {  	[tilespmem:s12], [sflag:$0x1] =	stream.linear.gather [hbm4b:s7+s3], $0x2780, $0x38;
	[tilespmem:$0x1CC00] =	vst v63  }
0x14: {  	_ =	swait.ge [sflag:s11], $0x2780  }
0x15: {  	[sflag:s11] =	ssyncset.done $0x0  }
0x16: {  	[sflag:s11] =	ssyncadd.s32 $0xFFFFD880  }
0x17: {  	[spmem:s14], [sflag:s13] =	dma.local [hbm:s5], $0x2780  }
0x18: {  	_ =	swait.ge [sflag:s11], $0x2780  }
0x19: {  	[sflag:s11] =	ssyncset.done $0x0  }
0x1a: {  	[sflag:s11] =	ssyncadd.s32 $0xFFFFD880  }
0x1b: {  	s18 =	simm.s32 $0x13C00;
	[bflag:$0x0] =	sbarrier.arrive $0xFFFF  }
0x1c: {  	[tilespmem:s16], [sflag:$0x1] =	stream.indirect.gather [hbm4b:s4+s15], $0x80, s18, s15, $0xb8;
	[tilespmem:$0x1CC00] =	vst v63  }
0x1d: {  	_ =	swait.ge [sflag:s11], $0x4000  }
0x1e: {  	[sflag:s11] =	ssyncset.done $0x0  }
0x1f: {  	s31 =	simm.s32 $0x16400;
	[sflag:s11] =	ssyncadd.s32 $0xFFFFC000  }
0x20: {  	[spmem:s2] =	stream.indirect.scatter.add.f32 [tilespmem:s16], [sflag:$0x1], $0x80, s31, s15, $0xb8;
	[tilespmem:$0x1CC00] =	vst v63  }
0x21: {  	_ =	swait.ge [sflag:s11], $0x4000  }
0x22: {  	s19 =	simm.s32 $0x400;
	s18 =	simm.s32 $0x80;
	[sflag:s11] =	ssyncset.done $0x0  }
.LBB2_2:
0x23: {  	s20 =	sadd.s32 $0x13C00, s18  }
0x24: {  	[sflag:s11] =	ssyncadd.s32 $0xFFFFC000;
	s21 =	smov.u32 s19;
	s22 =	sadd.s32 $0x200, s19  }
0x25: {  	[tilespmem:s16], [sflag:$0x1] =	stream.indirect.gather [hbm4b:s4+s15], $0x80, s20, s15, $0xb8;
	[tilespmem:$0x1CC00] =	vst v63  }
0x26: {  	p0 =	sne.s32 s19, $0x9C00;
	_ =	swait.ge [sflag:s11], $0x4000  }
.Ltmp0:
0x27: {  	[sflag:s11] =	ssyncset.done $0x0;
	(pc) =	sbr.rel @p0 .LBB2_2-.Ltmp0, $4  }
0x28: {  	s18 =	sadd.s32 $0x16400, s18;
	[sflag:s11] =	ssyncadd.s32 $0xFFFFC000  }
0x29: {  	[spmem:s2] =	stream.indirect.scatter.add.f32 [tilespmem:s16], [sflag:$0x1], $0x80, s18, s15, $0xb8;
	[tilespmem:$0x1CC00] =	vst v63  }
0x2a: {  	_ =	swait.ge [sflag:s11], $0x4000  }
0x2b: {  	s19 =	smov.u32 s22;
	s18 =	sshra.s32 s21, $0x2;
	[sflag:s11] =	ssyncset.done $0x0  }
0x2c: {  	s19 =	sadd.s32 $0x13C00, s18;
	[sflag:s11] =	ssyncadd.s32 $0xFFFFC000  }
0x2d: {  	[tilespmem:s16], [sflag:$0x1] =	stream.indirect.gather [hbm4b:s4+s15], $0x80, s19, s15, $0xb8;
	[tilespmem:$0x1CC00] =	vst v63  }
0x2e: {  	_ =	swait.ge [sflag:s11], $0x4000  }
0x2f: {  	[sflag:s11] =	ssyncset.done $0x0  }
0x30: {  	s31 =	sadd.s32 $0x16400, s18;
	[sflag:s11] =	ssyncadd.s32 $0xFFFFC000  }
0x31: {  	[spmem:s2] =	stream.indirect.scatter.add.f32 [tilespmem:s16], [sflag:$0x1], $0x80, s31, s15, $0xb8;
	[tilespmem:$0x1CC00] =	vst v63  }
0x32: {  	_ =	swait.ge [sflag:s11], $0x4000  }
0x33: {  	s17 =	sadd.s32 $0x1, s17;
	[sflag:s11] =	ssyncset.done $0x0  }
0x34: {  	p0 =	sne.s32 s17, s9;
	[sflag:s11] =	ssyncadd.s32 $0xFFFFC000  }
.Ltmp1:
0x35: {  	[bflag:$0x0] =	sbarrier.arrive $0xFFFF;
	(pc) =	sbr.rel @p0 .LBB2_1-.Ltmp1, $4  }
0x36: {  	[hbm:s8], [sflag:s13] =	dma.local [spmem:s14], $0x2780  }
0x37: {  	_ =	swait.ge [sflag:s11], $0x2780  }
0x38: {  	[sflag:s11] =	ssyncset.done $0x0  }
0x39: {  	[sflag:s11] =	ssyncadd.s32 $0xFFFFD880  }
0x3a: {  	_ =	sfence.sel $0x180000  }
0x3b: {  	[bflag:$0x0] =	sbarrier.arrive $0xFFFF  }
0x3c: {  	p0 =	sne.s32 s0, $0x0;
	_ =	strace $0x9000004A  }
0x3d: {  	s0 =	sadd.s32 @!p0 $0x100000, s1;
	[bflag:$0x2] =	sbarrier.arrive $0xFFFF  }
0x3e: {  	[sflag:s0] =	ssyncadd.tile.s32 @!p0 $0x1;
	_ =	shalt  }
.Lfunc_end2:
_tile_overlayer_lowered:
.L_overlay_start_2:
0x3f: {  	(tag) =	ssettag $0x2  }
0x40: {  	s0 =	rddreg [dreg:$0x0];
	s2 =	stileid.u32  }
0x41: {  	s1 =	rddreg [dreg:$0x1];
	p0 =	sne.s32 s2, $0x0  }
0x42: {  	s3 =	rddreg [dreg:$0x2];
	[bflag:$0x3] =	sbarrier.arrive $0xFFFF;
	s2 =	simm.s32 @!p0 $0x1C01  }
0x43: {  	[timem:s3], [sflag:s2] =	dma.local @!p0 [hbm:s0], s1  }
0x44: {  	s0 =	simm.s32 @!p0 $0x1  }
0x45: {  	_ =	swait.ge @!p0 [sflag:s0], s1  }
0x46: {  	s1 =	ssub.s32 @!p0 $0x0, s1;
	[sflag:s0] =	ssyncset.done @!p0 $0x0  }
0x47: {  	[sflag:s0] =	ssyncadd.s32 @!p0 s1  }
0x48: {  	[bflag:$0x3] =	sbarrier.arrive $0xFFFF  }
0x49: {  	_ =	shalt  }

// kernel: kernel.17.cloned.1.call-start
scs
__scs_entry_jumppad:
0x0: {  	(pc) =	sbr.rel $0x88, $3  }
0x1: {  	(tag) =	ssettag $0x0;
	lr =	simm.s32 $0x1  }
0x2: {  	[smem:$0x3F91] =	sst lr;
	_ =	strace $0xD0000000  }
0x3: {  	_ = 	snop  }
0x4: {  	_ = 	snop  }
0x5: {  	_ = 	snop  }
0x6: {  	_ = 	snop  }
0x7: {  	_ = 	snop  }
__scs_overlays_trampoline_lowered:
0x8: {  	[smem:$0x3FA0] =	sst s0  }
0x9: {  	[smem:$0x3FA1] =	sst s1  }
0xa: {  	[smem:$0x3FA2] =	sst s2  }
0xb: {  	[smem:$0x3FA3] =	sst s3  }
0xc: {  	[smem:$0x3FA4] =	sst s4  }
0xd: {  	[smem:$0x3FA5] =	sst s5  }
0xe: {  	[smem:$0x3FA6] =	sst s6  }
0xf: {  	[smem:$0x3FA7] =	sst s7  }
0x10: {  	[smem:$0x3FA8] =	sst s8  }
0x11: {  	[smem:$0x3FA9] =	sst s9;
	s0 =	simm.s32 @!p0 $0x0  }
0x12: {  	s1 =	sld [smem:$0x3F8F];
	s0 =	simm.s32 @p0 $0x1  }
0x13: {  	[smem:$0x3FAA] =	sst s0;
	s0 =	simm.s32 @!p1 $0x0  }
0x14: {  	s2 =	sld [smem:$0x3F8E];
	s0 =	simm.s32 @p1 $0x1  }
0x15: {  	[smem:$0x3FAB] =	sst s0;
	s0 =	simm.s32 @!p2 $0x0  }
0x16: {  	s3 =	sld [smem:$0x3FDB];
	s0 =	simm.s32 @p2 $0x1  }
0x17: {  	s4 =	simm.s32 $0x1BF5;
	[smem:$0x3FAD] =	sst s0  }
0x18: {  	s0 =	sld [smem:$0x3F90];
	_ =	swait.ge [sflag:s4], $0x0  }
0x19: {  	s7 =	sld [smem:$0x3F91]  }
0x1a: {  	s8 =	sadd.s32 $0xFFFFE003, lr  }
0x1b: {  	s9 =	sadd.s32 $0xFFFFFEF7, lr;
	s5 =	simm.s32 $0xFFFFFFFF;
	p2 =	slt.u32 s8, $0xFFFFF086  }
0x1c: {  	p1 =	slt.u32 s9, $0xF7A;
	s5 =	simm.s32 @!p2 $0x0  }
0x1d: {  	s5 =	simm.s32 @p1 $0x1;
	p0 =	seq.s32 s7, s2  }
0x1e: {  	s7 =	smul.u32 @!p0 $0xF7A, s2;
	p2 =	seq.s32 @!p0 s5, $0x0  }
0x1f: {  	s9 =	smul.u32 $0xF7A, s1;
	s8 =	simm.s32 @!p0 $0x1BF5;
	p2 =	por !p2, p0  }
0x20: {  	[sflag:s8] =	ssyncset.s32 @!p0 $0xFFFFF086;
	s6 =	sadd.s32 @!p0 s3, s7;
	s7 =	simm.s32 @!p0 $0x108  }
0x21: {  	s3 =	sadd.s32 s3, s9;
	s6 =	sadd.s32 @!p0 $0x88, s6;
	s7 =	simm.s32 @p2 $0x1082  }
0x22: {  	[simem:s7], [sflag:s8] =	dma.local @!p0 [hbm:s6], $0xF7A  }
0x23: {  	s9 =	sor.u32 $0xD0000000, s2;
	s6 =	simm.s32 $0x108;
	_ =	swait.ge @!p0 [sflag:s8], $0x0  }
0x24: {  	s3 =	sadd.s32 $0x88, s3;
	s6 =	simm.s32 @!p1 $0x1082;
	[sflag:s4] =	ssyncset.s32 $0xFFFFF086  }
0x25: {  	[simem:s6], [sflag:s4] =	dma.local [hbm:s3], $0xF7A  }
0x26: {  	[smem:$0x3F91] =	sst s1;
	(tag) =	ssettag s2;
	_ =	strace s9  }
0x27: {  	s1 =	sld [smem:$0x3FA1]  }
0x28: {  	s2 =	sld [smem:$0x3FA2]  }
0x29: {  	s4 =	sld [smem:$0x3FA4]  }
0x2a: {  	p0 =	seq.s32 s5, $0x0;
	s5 =	sld [smem:$0x3FA5]  }
0x2b: {  	s6 =	sld [smem:$0x3FA6]  }
0x2c: {  	s7 =	sld [smem:$0x3FA7]  }
0x2d: {  	s3 =	simm.s32 $0x108;
	s8 =	sld [smem:$0x3FA8]  }
0x2e: {  	s3 =	simm.s32 @!p0 $0x1082;
	s9 =	sld [smem:$0x3FA9]  }
0x2f: {  	lr =	sadd.s32 s0, s3;
	s0 =	sld [smem:$0x3FA0]  }
0x30: {  	s3 =	sld [smem:$0x3FA3]  }
0x31: {  	[smem:$0x3FAC] =	sst s10  }
0x32: {  	s10 =	sld [smem:$0x3FAA];
	_ =	sdelay $0x3  }
0x33: {  	p0 =	seq.s32 s10, $0x1;
	s10 =	sld [smem:$0x3FAC];
	_ =	sdelay $0x3  }
0x34: {  	[smem:$0x3FAC] =	sst s10  }
0x35: {  	s10 =	sld [smem:$0x3FAB];
	_ =	sdelay $0x3  }
0x36: {  	p1 =	seq.s32 s10, $0x1;
	s10 =	sld [smem:$0x3FAC];
	_ =	sdelay $0x3  }
0x37: {  	[smem:$0x3FAC] =	sst s10  }
0x38: {  	s10 =	sld [smem:$0x3FAD]  }
0x39: {  	_ = 	snop;
	(pc) =	sbr.ind lr, $3  }
0x3a: {  	_ = 	snop  }
0x3b: {  	_ = 	snop  }
0x3c: {  	p2 =	seq.s32 s10, $0x1;
	s10 =	sld [smem:$0x3FAC]  }
0x3d: {  	_ =	shalt  }
0x3e: {  	_ =	shalt  }
0x3f: {  	_ =	shalt  }
0x40: {  	_ =	shalt  }
0x41: {  	_ =	shalt  }
0x42: {  	_ =	shalt  }
0x43: {  	_ =	shalt  }
0x44: {  	_ =	shalt  }
0x45: {  	_ =	shalt  }
0x46: {  	_ =	shalt  }
0x47: {  	_ =	shalt  }
0x48: {  	_ =	shalt  }
0x49: {  	_ =	shalt  }
0x4a: {  	_ =	shalt  }
0x4b: {  	_ =	shalt  }
0x4c: {  	_ =	shalt  }
0x4d: {  	_ =	shalt  }
0x4e: {  	_ =	shalt  }
0x4f: {  	_ =	shalt  }
0x50: {  	_ =	shalt  }
0x51: {  	_ =	shalt  }
0x52: {  	_ =	shalt  }
0x53: {  	_ =	shalt  }
0x54: {  	_ =	shalt  }
0x55: {  	_ =	shalt  }
0x56: {  	_ =	shalt  }
0x57: {  	_ =	shalt  }
0x58: {  	_ =	shalt  }
0x59: {  	_ =	shalt  }
0x5a: {  	_ =	shalt  }
0x5b: {  	_ =	shalt  }
0x5c: {  	_ =	shalt  }
0x5d: {  	_ =	shalt  }
0x5e: {  	_ =	shalt  }
0x5f: {  	_ =	shalt  }
0x60: {  	_ =	shalt  }
0x61: {  	_ =	shalt  }
0x62: {  	_ =	shalt  }
0x63: {  	_ =	shalt  }
0x64: {  	_ =	shalt  }
0x65: {  	_ =	shalt  }
0x66: {  	_ =	shalt  }
0x67: {  	_ =	shalt  }
0x68: {  	_ =	shalt  }
0x69: {  	_ =	shalt  }
0x6a: {  	_ =	shalt  }
0x6b: {  	_ =	shalt  }
0x6c: {  	_ =	shalt  }
0x6d: {  	_ =	shalt  }
0x6e: {  	_ =	shalt  }
0x6f: {  	_ =	shalt  }
0x70: {  	_ =	shalt  }
0x71: {  	_ =	shalt  }
0x72: {  	_ =	shalt  }
0x73: {  	_ =	shalt  }
0x74: {  	_ =	shalt  }
0x75: {  	_ =	shalt  }
0x76: {  	_ =	shalt  }
0x77: {  	_ =	shalt  }
0x78: {  	_ =	shalt  }
0x79: {  	_ =	shalt  }
0x7a: {  	_ =	shalt  }
0x7b: {  	_ =	shalt  }
0x7c: {  	_ =	shalt  }
0x7d: {  	_ =	shalt  }
0x7e: {  	_ =	shalt  }
0x7f: {  	_ =	shalt  }
0x80: {  	_ =	shalt  }
0x81: {  	_ =	shalt  }
0x82: {  	_ =	shalt  }
0x83: {  	_ =	shalt  }
0x84: {  	_ =	shalt  }
0x85: {  	_ =	shalt  }
0x86: {  	_ =	shalt  }
0x87: {  	_ =	shalt  }
.Lfunc_end0:
.L_simem_size_0:
called_computation.2_lowered:
.L_overlay_start_0:
0x88: {  	s2 =	sld [smem:$0x3FD9]  }
0x89: {  	s3 =	sld [smem:$0x3FFE];
	_ =	sdelay $0x1  }
0x8a: {  	s1 =	srdreg.scid  }
0x8b: {  	s0 =	sand.u32 $0x1, s1  }
0x8c: {  	s16 =	sshll.u32 s0, $0xA;
	s2 =	sadd.s32 s3, s2  }
0x8d: {  	s2 =	sadd.s32 s2, s16  }
0x8e: {  	[smem:$0x3FB8] =	sst s2  }
0x8f: {  	_ = 	snop  }
0x90: {  	(tm) =	ssettm $0x1  }
0x91: {  	s17 =	sld [smem:$0x3FFB];
	_ =	sdelay $0x3  }
0x92: {  	_ =	strace s17  }
0x93: {  	s2 =	sld [smem:$0x3FFC];
	_ =	sdelay $0x3  }
0x94: {  	_ =	strace s2  }
0x95: {  	s2 =	sld [smem:$0x3FFD];
	_ =	sdelay $0x3  }
0x96: {  	_ =	strace s2  }
0x97: {  	_ =	strace $0x8FFFFFFF  }
0x98: {  	s18 =	sld [smem:$0x3FDB];
	_ =	sdelay $0x1  }
0x99: {  	s19 =	simm.s32 $_scs_section_size  }
0x9a: {  	s4 =	simm.s32 $_size__tile_overlayer_lowered;
	s5 =	simm.s32 $_tile_overlayer_lowered  }
0x9b: {  	s22 =	simm.s32 $0x1BFF;
	s21 =	sshll.u32 s5, $0x1;
	s2 =	sadd.s32 s19, s18  }
0x9c: {  	s6 =	simm.s32 $0x0;
	s20 =	sshll.u32 s4, $0x1;
	s4 =	sadd.s32 s21, s2  }
0x9d: {  	[timem:s6], [sflag:s22] =	dma.local [hbm:s4], s20  }
0x9e: {  	_ =	swait.ge [sflag:s22], s20  }
0x9f: {  	s3 =	ssub.s32 $0x0, s20;
	[sflag:s22] =	ssyncset.done $0x0  }
0xa0: {  	[sflag:s22] =	ssyncadd.s32 s3;
	_ =	sdelay $0x1  }
0xa1: {  	s23 =	simm.s32 $0x1B8B  }
0xa2: {  	_ =	swait.ge [sflag:s23], $0x1  }
0xa3: {  	[sflag:s23] =	ssyncset.done $0x0  }
0xa4: {  	s25 =	simm.s32 $0x1B8E;
	s24 =	sld [smem:$0x3FFE];
	[sflag:s23] =	ssyncadd.s32 $0xFFFFFFFF  }
0xa5: {  	s26 =	simm.s32 $execute0_lowered;
	[smem:$0x3FD2] =	sst s25  }
0xa6: {  	s4 =	sshll.u32 s26, $0x1;
	_ =	strace $0x8000004C;
	[dreg:$0x1] =	wrdreg $0xFFFFFFFF  }
0xa7: {  	s28 =	simm.s32 $_size_execute0_lowered;
	s2 =	sadd.s32 s2, s4;
	[dreg:$0x0] =	wrdreg $0x0  }
0xa8: {  	s4 =	sshll.u32 s28, $0x1;
	[dreg:$0x2] =	wrdreg s2  }
0xa9: {  	[dreg:$0x3] =	wrdreg s4  }
0xaa: {  	[dreg:$0x4] =	wrdreg $0xC0  }
0xab: {  	_ =	task [dreg:s6], $0x5FFFF  }
0xac: {  	[dreg:$0x1] =	wrdreg $0xFFFFFFFF  }
0xad: {  	[dreg:$0x0] =	wrdreg $0x60  }
0xae: {  	[dreg:$0x2] =	wrdreg s24  }
0xaf: {  	[dreg:$0x3] =	wrdreg $0x0  }
0xb0: {  	[dreg:$0x4] =	wrdreg $0x9  }
0xb1: {  	_ =	task.clear_ibuf [dreg:s6], $0x5FFFF;
	_ =	strace $0x9000004C  }
0xb2: {  	s29 =	simm.s32 $0x9;
	_ =	strace $0x8000004E  }
0xb3: {  	_ =	swait.ge [sflag:s29], $0x1  }
0xb4: {  	[sflag:s29] =	ssyncadd.s32 $0xFFFFFFFF  }
0xb5: {  	_ =	strace $0x9000004E  }
0xb6: {  	_ =	sfence  }
0xb7: {  	s30 =	sld [smem:$0x0];
	_ =	sdelay $0x2  }
0xb8: {  	s31 =	sshll.u32 s1, $0xD;
	s1 =	sshrl.u32 s1, $0x2  }
0xb9: {  	s3 =	sand.u32 $0x4000, s31;
	s1 =	sadd.s32 s1, s30  }
0xba: {  	s0 =	sor.u32 s3, s0;
	s1 =	sshll.u32 s1, $0x11  }
0xbb: {  	s0 =	sor.u32 s1, s0  }
0xbc: {  	s0 =	sadd.s32 $0x8F2B, s0  }
0xbd: {  	[sflag:s0] =	ssyncadd.remote.s32 $0x1  }
0xbe: {  	_ =	sfence.sel $0xFFFF  }
0xbf: {  	[dreg:$0x0] =	wrdreg $0xFFFFFFFF;
	(pc) =	sbr.abs _section_cstart, $3  }
0xc0: {  	[dreg:$0x1] =	wrdreg $0xFFFFFFFF  }
0xc1: {  	_ =	task.clear_ibuf [dreg:s6], $0x2FFFF;
	_ =	strace $0x9FFFFFFF  }
0xc2: {  	(tm) =	ssettm $0x7FFFFFFF  }
0xc3: {  	_ =	shalt  }
tec
execute0_lowered:
.L_overlay_start_1:
0x0: {  	(tag) =	ssettag $0x1  }
0x1: {  	s1 =	srdreg.scid  }
0x2: {  	s0 =	stileid.u32;
	s6 =	rddreg [dreg:$0x0]  }
0x3: {  	s2 =	rddreg [dreg:$0x1];
	s3 =	simm.s32 $0x0;
	s12 =	simm.s32 $0x16400  }
0x4: {  	s15 =	simm.s32 $0x80;
	s16 =	simm.s32 $0x18C00;
	s17 =	simm.s32 $0x0  }
0x5: {  	s5 =	sand.u32 $0x1, s1;
	s29 =	sshll.u32 s0, $0x1;
	s9 =	smul.u32 $0x13C00, s0  }
0x6: {  	[smem:$0x7FF] =	sst s3;
	s4 =	sadd.s32 $0x11400, s6;
	s11 =	smul.u32 $0x4F000, s0  }
0x7: {  	s13 =	sshll.u32 s0, $0x6;
	s1 =	sor.u32 s5, s29;
	s8 =	smul.u32 $0x13C000, s5  }
0x8: {  	s30 =	ssub.s32 $0x2, s5;
	s5 =	sadd.s32 $0xEC00, s6;
	s13 =	sor.u32 $0x1C01, s13  }
0x9: {  	s7 =	smul.u32 $0x500, s1;
	s1 =	rddreg [dreg:$0x2];
	_ =	strace $0x8000004D  }
0xa: {  	s10 =	sshrl.u32 s30, $0x1;
	s31 =	sshrl.u32 s11, $0x2;
	s11 =	simm.s32 $0x1  }
0xb: {  	s8 =	sadd.s32 s9, s8;
	s9 =	ssub.s32 s30, s10;
	s14 =	sadd.s32 s31, s2  }
0xc: {  	s10 =	simm.s32 $0x13C00;
	s7 =	sadd.s32 s7, s6;
	s8 =	sshrl.u32 s8, $0x3  }
0xd: {  	s9 =	smax.u32 s9, $0x1;
	s14 =	sshrl.u32 s14, $0x3;
	s8 =	sadd.s32 s8, s6  }
0xe: {  	s6 =	sadd.s32 $0x60C00, s7;
	s7 =	sadd.s32 $0x4C00, s7;
	s8 =	sadd.s32 $0x6AC00, s8  }
.LBB2_1:
0xf: {  	[tilespmem:s10], [sflag:$0x1] =	stream.linear.gather [hbm4b:s6+s3], $0x2780, $0x38;
	[tilespmem:$0x1CC00] =	vst v63  }
0x10: {  	_ =	swait.ge [sflag:s11], $0x2780  }
0x11: {  	[sflag:s11] =	ssyncset.done $0x0  }
0x12: {  	[sflag:s11] =	ssyncadd.s32 $0xFFFFD880  }
0x13: {  	[tilespmem:s12], [sflag:$0x1] =	stream.linear.gather [hbm4b:s7+s3], $0x2780, $0x38;
	[tilespmem:$0x1CC00] =	vst v63  }
0x14: {  	_ =	swait.ge [sflag:s11], $0x2780  }
0x15: {  	[sflag:s11] =	ssyncset.done $0x0  }
0x16: {  	[sflag:s11] =	ssyncadd.s32 $0xFFFFD880  }
0x17: {  	[spmem:s14], [sflag:s13] =	dma.local [hbm:s5], $0x2780  }
0x18: {  	_ =	swait.ge [sflag:s11], $0x2780  }
0x19: {  	[sflag:s11] =	ssyncset.done $0x0  }
0x1a: {  	[sflag:s11] =	ssyncadd.s32 $0xFFFFD880  }
0x1b: {  	s18 =	simm.s32 $0x13C00;
	[bflag:$0x0] =	sbarrier.arrive $0xFFFF  }
0x1c: {  	[tilespmem:s16], [sflag:$0x1] =	stream.indirect.gather [hbm4b:s4+s15], $0x80, s18, s15, $0xb8;
	[tilespmem:$0x1CC00] =	vst v63  }
0x1d: {  	_ =	swait.ge [sflag:s11], $0x4000  }
0x1e: {  	[sflag:s11] =	ssyncset.done $0x0  }
0x1f: {  	s31 =	simm.s32 $0x16400;
	[sflag:s11] =	ssyncadd.s32 $0xFFFFC000  }
0x20: {  	[spmem:s2] =	stream.indirect.scatter.add.f32 [tilespmem:s16], [sflag:$0x1], $0x80, s31, s15, $0xb8;
	[tilespmem:$0x1CC00] =	vst v63  }
0x21: {  	_ =	swait.ge [sflag:s11], $0x4000  }
0x22: {  	s19 =	simm.s32 $0x400;
	s18 =	simm.s32 $0x80;
	[sflag:s11] =	ssyncset.done $0x0  }
.LBB2_2:
0x23: {  	s20 =	sadd.s32 $0x13C00, s18  }
0x24: {  	[sflag:s11] =	ssyncadd.s32 $0xFFFFC000;
	s21 =	smov.u32 s19;
	s22 =	sadd.s32 $0x200, s19  }
0x25: {  	[tilespmem:s16], [sflag:$0x1] =	stream.indirect.gather [hbm4b:s4+s15], $0x80, s20, s15, $0xb8;
	[tilespmem:$0x1CC00] =	vst v63  }
0x26: {  	p0 =	sne.s32 s19, $0x9C00;
	_ =	swait.ge [sflag:s11], $0x4000  }
.Ltmp0:
0x27: {  	[sflag:s11] =	ssyncset.done $0x0;
	(pc) =	sbr.rel @p0 .LBB2_2-.Ltmp0, $4  }
0x28: {  	s18 =	sadd.s32 $0x16400, s18;
	[sflag:s11] =	ssyncadd.s32 $0xFFFFC000  }
0x29: {  	[spmem:s2] =	stream.indirect.scatter.add.f32 [tilespmem:s16], [sflag:$0x1], $0x80, s18, s15, $0xb8;
	[tilespmem:$0x1CC00] =	vst v63  }
0x2a: {  	_ =	swait.ge [sflag:s11], $0x4000  }
0x2b: {  	s19 =	smov.u32 s22;
	s18 =	sshra.s32 s21, $0x2;
	[sflag:s11] =	ssyncset.done $0x0  }
0x2c: {  	s19 =	sadd.s32 $0x13C00, s18;
	[sflag:s11] =	ssyncadd.s32 $0xFFFFC000  }
0x2d: {  	[tilespmem:s16], [sflag:$0x1] =	stream.indirect.gather [hbm4b:s4+s15], $0x80, s19, s15, $0xb8;
	[tilespmem:$0x1CC00] =	vst v63  }
0x2e: {  	_ =	swait.ge [sflag:s11], $0x4000  }
0x2f: {  	[sflag:s11] =	ssyncset.done $0x0  }
0x30: {  	s31 =	sadd.s32 $0x16400, s18;
	[sflag:s11] =	ssyncadd.s32 $0xFFFFC000  }
0x31: {  	[spmem:s2] =	stream.indirect.scatter.add.f32 [tilespmem:s16], [sflag:$0x1], $0x80, s31, s15, $0xb8;
	[tilespmem:$0x1CC00] =	vst v63  }
0x32: {  	_ =	swait.ge [sflag:s11], $0x4000  }
0x33: {  	s17 =	sadd.s32 $0x1, s17;
	[sflag:s11] =	ssyncset.done $0x0  }
0x34: {  	p0 =	sne.s32 s17, s9;
	[sflag:s11] =	ssyncadd.s32 $0xFFFFC000  }
.Ltmp1:
0x35: {  	[bflag:$0x0] =	sbarrier.arrive $0xFFFF;
	(pc) =	sbr.rel @p0 .LBB2_1-.Ltmp1, $4  }
0x36: {  	[hbm:s8], [sflag:s13] =	dma.local [spmem:s14], $0x2780  }
0x37: {  	_ =	swait.ge [sflag:s11], $0x2780  }
0x38: {  	[sflag:s11] =	ssyncset.done $0x0  }
0x39: {  	[sflag:s11] =	ssyncadd.s32 $0xFFFFD880  }
0x3a: {  	_ =	sfence.sel $0x180000  }
0x3b: {  	[bflag:$0x0] =	sbarrier.arrive $0xFFFF  }
0x3c: {  	p0 =	sne.s32 s0, $0x0;
	_ =	strace $0x9000004D  }
0x3d: {  	s0 =	sadd.s32 @!p0 $0x100000, s1;
	[bflag:$0x2] =	sbarrier.arrive $0xFFFF  }
0x3e: {  	[sflag:s0] =	ssyncadd.tile.s32 @!p0 $0x1;
	_ =	shalt  }
.Lfunc_end2:
_tile_overlayer_lowered:
.L_overlay_start_2:
0x3f: {  	(tag) =	ssettag $0x2  }
0x40: {  	s0 =	rddreg [dreg:$0x0];
	s2 =	stileid.u32  }
0x41: {  	s1 =	rddreg [dreg:$0x1];
	p0 =	sne.s32 s2, $0x0  }
0x42: {  	s3 =	rddreg [dreg:$0x2];
	[bflag:$0x3] =	sbarrier.arrive $0xFFFF;
	s2 =	simm.s32 @!p0 $0x1C01  }
0x43: {  	[timem:s3], [sflag:s2] =	dma.local @!p0 [hbm:s0], s1  }
0x44: {  	s0 =	simm.s32 @!p0 $0x1  }
0x45: {  	_ =	swait.ge @!p0 [sflag:s0], s1  }
0x46: {  	s1 =	ssub.s32 @!p0 $0x0, s1;
	[sflag:s0] =	ssyncset.done @!p0 $0x0  }
0x47: {  	[sflag:s0] =	ssyncadd.s32 @!p0 s1  }
0x48: {  	[bflag:$0x3] =	sbarrier.arrive $0xFFFF  }
0x49: {  	_ =	shalt  }

// kernel: kernel.20.cloned.1.call-start
scs
__scs_entry_jumppad:
0x0: {  	(pc) =	sbr.rel $0x88, $3  }
0x1: {  	(tag) =	ssettag $0x0;
	lr =	simm.s32 $0x1  }
0x2: {  	[smem:$0x3F91] =	sst lr;
	_ =	strace $0xD0000000  }
0x3: {  	_ = 	snop  }
0x4: {  	_ = 	snop  }
0x5: {  	_ = 	snop  }
0x6: {  	_ = 	snop  }
0x7: {  	_ = 	snop  }
__scs_overlays_trampoline_lowered:
0x8: {  	[smem:$0x3FA0] =	sst s0  }
0x9: {  	[smem:$0x3FA1] =	sst s1  }
0xa: {  	[smem:$0x3FA2] =	sst s2  }
0xb: {  	[smem:$0x3FA3] =	sst s3  }
0xc: {  	[smem:$0x3FA4] =	sst s4  }
0xd: {  	[smem:$0x3FA5] =	sst s5  }
0xe: {  	[smem:$0x3FA6] =	sst s6  }
0xf: {  	[smem:$0x3FA7] =	sst s7  }
0x10: {  	[smem:$0x3FA8] =	sst s8  }
0x11: {  	[smem:$0x3FA9] =	sst s9;
	s0 =	simm.s32 @!p0 $0x0  }
0x12: {  	s1 =	sld [smem:$0x3F8F];
	s0 =	simm.s32 @p0 $0x1  }
0x13: {  	[smem:$0x3FAA] =	sst s0;
	s0 =	simm.s32 @!p1 $0x0  }
0x14: {  	s2 =	sld [smem:$0x3F8E];
	s0 =	simm.s32 @p1 $0x1  }
0x15: {  	[smem:$0x3FAB] =	sst s0;
	s0 =	simm.s32 @!p2 $0x0  }
0x16: {  	s3 =	sld [smem:$0x3FDB];
	s0 =	simm.s32 @p2 $0x1  }
0x17: {  	s4 =	simm.s32 $0x1BF5;
	[smem:$0x3FAD] =	sst s0  }
0x18: {  	s0 =	sld [smem:$0x3F90];
	_ =	swait.ge [sflag:s4], $0x0  }
0x19: {  	s7 =	sld [smem:$0x3F91]  }
0x1a: {  	s8 =	sadd.s32 $0xFFFFE003, lr  }
0x1b: {  	s9 =	sadd.s32 $0xFFFFFEF7, lr;
	s5 =	simm.s32 $0xFFFFFFFF;
	p2 =	slt.u32 s8, $0xFFFFF086  }
0x1c: {  	p1 =	slt.u32 s9, $0xF7A;
	s5 =	simm.s32 @!p2 $0x0  }
0x1d: {  	s5 =	simm.s32 @p1 $0x1;
	p0 =	seq.s32 s7, s2  }
0x1e: {  	s7 =	smul.u32 @!p0 $0xF7A, s2;
	p2 =	seq.s32 @!p0 s5, $0x0  }
0x1f: {  	s9 =	smul.u32 $0xF7A, s1;
	s8 =	simm.s32 @!p0 $0x1BF5;
	p2 =	por !p2, p0  }
0x20: {  	[sflag:s8] =	ssyncset.s32 @!p0 $0xFFFFF086;
	s6 =	sadd.s32 @!p0 s3, s7;
	s7 =	simm.s32 @!p0 $0x108  }
0x21: {  	s3 =	sadd.s32 s3, s9;
	s6 =	sadd.s32 @!p0 $0x88, s6;
	s7 =	simm.s32 @p2 $0x1082  }
0x22: {  	[simem:s7], [sflag:s8] =	dma.local @!p0 [hbm:s6], $0xF7A  }
0x23: {  	s9 =	sor.u32 $0xD0000000, s2;
	s6 =	simm.s32 $0x108;
	_ =	swait.ge @!p0 [sflag:s8], $0x0  }
0x24: {  	s3 =	sadd.s32 $0x88, s3;
	s6 =	simm.s32 @!p1 $0x1082;
	[sflag:s4] =	ssyncset.s32 $0xFFFFF086  }
0x25: {  	[simem:s6], [sflag:s4] =	dma.local [hbm:s3], $0xF7A  }
0x26: {  	[smem:$0x3F91] =	sst s1;
	(tag) =	ssettag s2;
	_ =	strace s9  }
0x27: {  	s1 =	sld [smem:$0x3FA1]  }
0x28: {  	s2 =	sld [smem:$0x3FA2]  }
0x29: {  	s4 =	sld [smem:$0x3FA4]  }
0x2a: {  	p0 =	seq.s32 s5, $0x0;
	s5 =	sld [smem:$0x3FA5]  }
0x2b: {  	s6 =	sld [smem:$0x3FA6]  }
0x2c: {  	s7 =	sld [smem:$0x3FA7]  }
0x2d: {  	s3 =	simm.s32 $0x108;
	s8 =	sld [smem:$0x3FA8]  }
0x2e: {  	s3 =	simm.s32 @!p0 $0x1082;
	s9 =	sld [smem:$0x3FA9]  }
0x2f: {  	lr =	sadd.s32 s0, s3;
	s0 =	sld [smem:$0x3FA0]  }
0x30: {  	s3 =	sld [smem:$0x3FA3]  }
0x31: {  	[smem:$0x3FAC] =	sst s10  }
0x32: {  	s10 =	sld [smem:$0x3FAA];
	_ =	sdelay $0x3  }
0x33: {  	p0 =	seq.s32 s10, $0x1;
	s10 =	sld [smem:$0x3FAC];
	_ =	sdelay $0x3  }
0x34: {  	[smem:$0x3FAC] =	sst s10  }
0x35: {  	s10 =	sld [smem:$0x3FAB];
	_ =	sdelay $0x3  }
0x36: {  	p1 =	seq.s32 s10, $0x1;
	s10 =	sld [smem:$0x3FAC];
	_ =	sdelay $0x3  }
0x37: {  	[smem:$0x3FAC] =	sst s10  }
0x38: {  	s10 =	sld [smem:$0x3FAD]  }
0x39: {  	_ = 	snop;
	(pc) =	sbr.ind lr, $3  }
0x3a: {  	_ = 	snop  }
0x3b: {  	_ = 	snop  }
0x3c: {  	p2 =	seq.s32 s10, $0x1;
	s10 =	sld [smem:$0x3FAC]  }
0x3d: {  	_ =	shalt  }
0x3e: {  	_ =	shalt  }
0x3f: {  	_ =	shalt  }
0x40: {  	_ =	shalt  }
0x41: {  	_ =	shalt  }
0x42: {  	_ =	shalt  }
0x43: {  	_ =	shalt  }
0x44: {  	_ =	shalt  }
0x45: {  	_ =	shalt  }
0x46: {  	_ =	shalt  }
0x47: {  	_ =	shalt  }
0x48: {  	_ =	shalt  }
0x49: {  	_ =	shalt  }
0x4a: {  	_ =	shalt  }
0x4b: {  	_ =	shalt  }
0x4c: {  	_ =	shalt  }
0x4d: {  	_ =	shalt  }
0x4e: {  	_ =	shalt  }
0x4f: {  	_ =	shalt  }
0x50: {  	_ =	shalt  }
0x51: {  	_ =	shalt  }
0x52: {  	_ =	shalt  }
0x53: {  	_ =	shalt  }
0x54: {  	_ =	shalt  }
0x55: {  	_ =	shalt  }
0x56: {  	_ =	shalt  }
0x57: {  	_ =	shalt  }
0x58: {  	_ =	shalt  }
0x59: {  	_ =	shalt  }
0x5a: {  	_ =	shalt  }
0x5b: {  	_ =	shalt  }
0x5c: {  	_ =	shalt  }
0x5d: {  	_ =	shalt  }
0x5e: {  	_ =	shalt  }
0x5f: {  	_ =	shalt  }
0x60: {  	_ =	shalt  }
0x61: {  	_ =	shalt  }
0x62: {  	_ =	shalt  }
0x63: {  	_ =	shalt  }
0x64: {  	_ =	shalt  }
0x65: {  	_ =	shalt  }
0x66: {  	_ =	shalt  }
0x67: {  	_ =	shalt  }
0x68: {  	_ =	shalt  }
0x69: {  	_ =	shalt  }
0x6a: {  	_ =	shalt  }
0x6b: {  	_ =	shalt  }
0x6c: {  	_ =	shalt  }
0x6d: {  	_ =	shalt  }
0x6e: {  	_ =	shalt  }
0x6f: {  	_ =	shalt  }
0x70: {  	_ =	shalt  }
0x71: {  	_ =	shalt  }
0x72: {  	_ =	shalt  }
0x73: {  	_ =	shalt  }
0x74: {  	_ =	shalt  }
0x75: {  	_ =	shalt  }
0x76: {  	_ =	shalt  }
0x77: {  	_ =	shalt  }
0x78: {  	_ =	shalt  }
0x79: {  	_ =	shalt  }
0x7a: {  	_ =	shalt  }
0x7b: {  	_ =	shalt  }
0x7c: {  	_ =	shalt  }
0x7d: {  	_ =	shalt  }
0x7e: {  	_ =	shalt  }
0x7f: {  	_ =	shalt  }
0x80: {  	_ =	shalt  }
0x81: {  	_ =	shalt  }
0x82: {  	_ =	shalt  }
0x83: {  	_ =	shalt  }
0x84: {  	_ =	shalt  }
0x85: {  	_ =	shalt  }
0x86: {  	_ =	shalt  }
0x87: {  	_ =	shalt  }
.Lfunc_end0:
.L_simem_size_0:
called_computation.3_lowered:
.L_overlay_start_0:
0x88: {  	s2 =	sld [smem:$0x3FD9]  }
0x89: {  	s3 =	sld [smem:$0x3FFE];
	_ =	sdelay $0x1  }
0x8a: {  	s1 =	srdreg.scid  }
0x8b: {  	s0 =	sand.u32 $0x1, s1  }
0x8c: {  	s16 =	sshll.u32 s0, $0xA;
	s2 =	sadd.s32 s3, s2  }
0x8d: {  	s2 =	sadd.s32 s2, s16  }
0x8e: {  	[smem:$0x3FB8] =	sst s2  }
0x8f: {  	_ = 	snop  }
0x90: {  	(tm) =	ssettm $0x1  }
0x91: {  	s17 =	sld [smem:$0x3FFB];
	_ =	sdelay $0x3  }
0x92: {  	_ =	strace s17  }
0x93: {  	s2 =	sld [smem:$0x3FFC];
	_ =	sdelay $0x3  }
0x94: {  	_ =	strace s2  }
0x95: {  	s2 =	sld [smem:$0x3FFD];
	_ =	sdelay $0x3  }
0x96: {  	_ =	strace s2  }
0x97: {  	_ =	strace $0x8FFFFFFF  }
0x98: {  	s18 =	sld [smem:$0x3FDB];
	_ =	sdelay $0x1  }
0x99: {  	s19 =	simm.s32 $_scs_section_size  }
0x9a: {  	s4 =	simm.s32 $_size__tile_overlayer_lowered;
	s5 =	simm.s32 $_tile_overlayer_lowered  }
0x9b: {  	s22 =	simm.s32 $0x1BFF;
	s21 =	sshll.u32 s5, $0x1;
	s2 =	sadd.s32 s19, s18  }
0x9c: {  	s6 =	simm.s32 $0x0;
	s20 =	sshll.u32 s4, $0x1;
	s4 =	sadd.s32 s21, s2  }
0x9d: {  	[timem:s6], [sflag:s22] =	dma.local [hbm:s4], s20  }
0x9e: {  	_ =	swait.ge [sflag:s22], s20  }
0x9f: {  	s3 =	ssub.s32 $0x0, s20;
	[sflag:s22] =	ssyncset.done $0x0  }
0xa0: {  	[sflag:s22] =	ssyncadd.s32 s3;
	_ =	sdelay $0x1  }
0xa1: {  	s23 =	simm.s32 $0x1B8B  }
0xa2: {  	_ =	swait.ge [sflag:s23], $0x1  }
0xa3: {  	[sflag:s23] =	ssyncset.done $0x0  }
0xa4: {  	s25 =	simm.s32 $0x1B8E;
	s24 =	sld [smem:$0x3FFE];
	[sflag:s23] =	ssyncadd.s32 $0xFFFFFFFF  }
0xa5: {  	s26 =	simm.s32 $execute0_lowered;
	[smem:$0x3FD2] =	sst s25  }
0xa6: {  	s4 =	sshll.u32 s26, $0x1;
	_ =	strace $0x8000004F;
	[dreg:$0x1] =	wrdreg $0xFFFFFFFF  }
0xa7: {  	s28 =	simm.s32 $_size_execute0_lowered;
	s2 =	sadd.s32 s2, s4;
	[dreg:$0x0] =	wrdreg $0x0  }
0xa8: {  	s4 =	sshll.u32 s28, $0x1;
	[dreg:$0x2] =	wrdreg s2  }
0xa9: {  	[dreg:$0x3] =	wrdreg s4  }
0xaa: {  	[dreg:$0x4] =	wrdreg $0xC0  }
0xab: {  	_ =	task [dreg:s6], $0x5FFFF  }
0xac: {  	[dreg:$0x1] =	wrdreg $0xFFFFFFFF  }
0xad: {  	[dreg:$0x0] =	wrdreg $0x60  }
0xae: {  	[dreg:$0x2] =	wrdreg s24  }
0xaf: {  	[dreg:$0x3] =	wrdreg $0x0  }
0xb0: {  	[dreg:$0x4] =	wrdreg $0x9  }
0xb1: {  	_ =	task.clear_ibuf [dreg:s6], $0x5FFFF;
	_ =	strace $0x9000004F  }
0xb2: {  	s29 =	simm.s32 $0x9;
	_ =	strace $0x80000051  }
0xb3: {  	_ =	swait.ge [sflag:s29], $0x1  }
0xb4: {  	[sflag:s29] =	ssyncadd.s32 $0xFFFFFFFF  }
0xb5: {  	_ =	strace $0x90000051  }
0xb6: {  	_ =	sfence  }
0xb7: {  	s30 =	sld [smem:$0x0];
	_ =	sdelay $0x2  }
0xb8: {  	s31 =	sshll.u32 s1, $0xD;
	s1 =	sshrl.u32 s1, $0x2  }
0xb9: {  	s3 =	sand.u32 $0x4000, s31;
	s1 =	sadd.s32 s1, s30  }
0xba: {  	s0 =	sor.u32 s3, s0;
	s1 =	sshll.u32 s1, $0x11  }
0xbb: {  	s0 =	sor.u32 s1, s0  }
0xbc: {  	s0 =	sadd.s32 $0x8F2B, s0  }
0xbd: {  	[sflag:s0] =	ssyncadd.remote.s32 $0x1  }
0xbe: {  	_ =	sfence.sel $0xFFFF  }
0xbf: {  	[dreg:$0x0] =	wrdreg $0xFFFFFFFF;
	(pc) =	sbr.abs _section_cstart, $3  }
0xc0: {  	[dreg:$0x1] =	wrdreg $0xFFFFFFFF  }
0xc1: {  	_ =	task.clear_ibuf [dreg:s6], $0x2FFFF;
	_ =	strace $0x9FFFFFFF  }
0xc2: {  	(tm) =	ssettm $0x7FFFFFFF  }
0xc3: {  	_ =	shalt  }
tec
execute0_lowered:
.L_overlay_start_1:
0x0: {  	(tag) =	ssettag $0x1  }
0x1: {  	s1 =	srdreg.scid  }
0x2: {  	s0 =	stileid.u32;
	s6 =	rddreg [dreg:$0x0]  }
0x3: {  	s2 =	rddreg [dreg:$0x1];
	s3 =	simm.s32 $0x0;
	s12 =	simm.s32 $0x16400  }
0x4: {  	s15 =	simm.s32 $0x80;
	s16 =	simm.s32 $0x18C00;
	s17 =	simm.s32 $0x0  }
0x5: {  	s5 =	sand.u32 $0x1, s1;
	s29 =	sshll.u32 s0, $0x1;
	s9 =	smul.u32 $0x13C00, s0  }
0x6: {  	[smem:$0x7FF] =	sst s3;
	s4 =	sadd.s32 $0x11400, s6;
	s11 =	smul.u32 $0x4F000, s0  }
0x7: {  	s13 =	sshll.u32 s0, $0x6;
	s1 =	sor.u32 s5, s29;
	s8 =	smul.u32 $0x13C000, s5  }
0x8: {  	s30 =	ssub.s32 $0x2, s5;
	s5 =	sadd.s32 $0xEC00, s6;
	s13 =	sor.u32 $0x1C01, s13  }
0x9: {  	s7 =	smul.u32 $0x500, s1;
	s1 =	rddreg [dreg:$0x2];
	_ =	strace $0x80000050  }
0xa: {  	s10 =	sshrl.u32 s30, $0x1;
	s31 =	sshrl.u32 s11, $0x2;
	s11 =	simm.s32 $0x1  }
0xb: {  	s8 =	sadd.s32 s9, s8;
	s9 =	ssub.s32 s30, s10;
	s14 =	sadd.s32 s31, s2  }
0xc: {  	s10 =	simm.s32 $0x13C00;
	s7 =	sadd.s32 s7, s6;
	s8 =	sshrl.u32 s8, $0x3  }
0xd: {  	s9 =	smax.u32 s9, $0x1;
	s14 =	sshrl.u32 s14, $0x3;
	s8 =	sadd.s32 s8, s6  }
0xe: {  	s6 =	sadd.s32 $0x60C00, s7;
	s7 =	sadd.s32 $0x4C00, s7;
	s8 =	sadd.s32 $0x6AC00, s8  }
.LBB2_1:
0xf: {  	[tilespmem:s10], [sflag:$0x1] =	stream.linear.gather [hbm4b:s6+s3], $0x2780, $0x38;
	[tilespmem:$0x1CC00] =	vst v63  }
0x10: {  	_ =	swait.ge [sflag:s11], $0x2780  }
0x11: {  	[sflag:s11] =	ssyncset.done $0x0  }
0x12: {  	[sflag:s11] =	ssyncadd.s32 $0xFFFFD880  }
0x13: {  	[tilespmem:s12], [sflag:$0x1] =	stream.linear.gather [hbm4b:s7+s3], $0x2780, $0x38;
	[tilespmem:$0x1CC00] =	vst v63  }
0x14: {  	_ =	swait.ge [sflag:s11], $0x2780  }
0x15: {  	[sflag:s11] =	ssyncset.done $0x0  }
0x16: {  	[sflag:s11] =	ssyncadd.s32 $0xFFFFD880  }
0x17: {  	[spmem:s14], [sflag:s13] =	dma.local [hbm:s5], $0x2780  }
0x18: {  	_ =	swait.ge [sflag:s11], $0x2780  }
0x19: {  	[sflag:s11] =	ssyncset.done $0x0  }
0x1a: {  	[sflag:s11] =	ssyncadd.s32 $0xFFFFD880  }
0x1b: {  	s18 =	simm.s32 $0x13C00;
	[bflag:$0x0] =	sbarrier.arrive $0xFFFF  }
0x1c: {  	[tilespmem:s16], [sflag:$0x1] =	stream.indirect.gather [hbm4b:s4+s15], $0x80, s18, s15, $0xb8;
	[tilespmem:$0x1CC00] =	vst v63  }
0x1d: {  	_ =	swait.ge [sflag:s11], $0x4000  }
0x1e: {  	[sflag:s11] =	ssyncset.done $0x0  }
0x1f: {  	s31 =	simm.s32 $0x16400;
	[sflag:s11] =	ssyncadd.s32 $0xFFFFC000  }
0x20: {  	[spmem:s2] =	stream.indirect.scatter.add.f32 [tilespmem:s16], [sflag:$0x1], $0x80, s31, s15, $0xb8;
	[tilespmem:$0x1CC00] =	vst v63  }
0x21: {  	_ =	swait.ge [sflag:s11], $0x4000  }
0x22: {  	s19 =	simm.s32 $0x400;
	s18 =	simm.s32 $0x80;
	[sflag:s11] =	ssyncset.done $0x0  }
.LBB2_2:
0x23: {  	s20 =	sadd.s32 $0x13C00, s18  }
0x24: {  	[sflag:s11] =	ssyncadd.s32 $0xFFFFC000;
	s21 =	smov.u32 s19;
	s22 =	sadd.s32 $0x200, s19  }
0x25: {  	[tilespmem:s16], [sflag:$0x1] =	stream.indirect.gather [hbm4b:s4+s15], $0x80, s20, s15, $0xb8;
	[tilespmem:$0x1CC00] =	vst v63  }
0x26: {  	p0 =	sne.s32 s19, $0x9C00;
	_ =	swait.ge [sflag:s11], $0x4000  }
.Ltmp0:
0x27: {  	[sflag:s11] =	ssyncset.done $0x0;
	(pc) =	sbr.rel @p0 .LBB2_2-.Ltmp0, $4  }
0x28: {  	s18 =	sadd.s32 $0x16400, s18;
	[sflag:s11] =	ssyncadd.s32 $0xFFFFC000  }
0x29: {  	[spmem:s2] =	stream.indirect.scatter.add.f32 [tilespmem:s16], [sflag:$0x1], $0x80, s18, s15, $0xb8;
	[tilespmem:$0x1CC00] =	vst v63  }
0x2a: {  	_ =	swait.ge [sflag:s11], $0x4000  }
0x2b: {  	s19 =	smov.u32 s22;
	s18 =	sshra.s32 s21, $0x2;
	[sflag:s11] =	ssyncset.done $0x0  }
0x2c: {  	s19 =	sadd.s32 $0x13C00, s18;
	[sflag:s11] =	ssyncadd.s32 $0xFFFFC000  }
0x2d: {  	[tilespmem:s16], [sflag:$0x1] =	stream.indirect.gather [hbm4b:s4+s15], $0x80, s19, s15, $0xb8;
	[tilespmem:$0x1CC00] =	vst v63  }
0x2e: {  	_ =	swait.ge [sflag:s11], $0x4000  }
0x2f: {  	[sflag:s11] =	ssyncset.done $0x0  }
0x30: {  	s31 =	sadd.s32 $0x16400, s18;
	[sflag:s11] =	ssyncadd.s32 $0xFFFFC000  }
0x31: {  	[spmem:s2] =	stream.indirect.scatter.add.f32 [tilespmem:s16], [sflag:$0x1], $0x80, s31, s15, $0xb8;
	[tilespmem:$0x1CC00] =	vst v63  }
0x32: {  	_ =	swait.ge [sflag:s11], $0x4000  }
0x33: {  	s17 =	sadd.s32 $0x1, s17;
	[sflag:s11] =	ssyncset.done $0x0  }
0x34: {  	p0 =	sne.s32 s17, s9;
	[sflag:s11] =	ssyncadd.s32 $0xFFFFC000  }
.Ltmp1:
0x35: {  	[bflag:$0x0] =	sbarrier.arrive $0xFFFF;
	(pc) =	sbr.rel @p0 .LBB2_1-.Ltmp1, $4  }
0x36: {  	[hbm:s8], [sflag:s13] =	dma.local [spmem:s14], $0x2780  }
0x37: {  	_ =	swait.ge [sflag:s11], $0x2780  }
0x38: {  	[sflag:s11] =	ssyncset.done $0x0  }
0x39: {  	[sflag:s11] =	ssyncadd.s32 $0xFFFFD880  }
0x3a: {  	_ =	sfence.sel $0x180000  }
0x3b: {  	[bflag:$0x0] =	sbarrier.arrive $0xFFFF  }
0x3c: {  	p0 =	sne.s32 s0, $0x0;
	_ =	strace $0x90000050  }
0x3d: {  	s0 =	sadd.s32 @!p0 $0x100000, s1;
	[bflag:$0x2] =	sbarrier.arrive $0xFFFF  }
0x3e: {  	[sflag:s0] =	ssyncadd.tile.s32 @!p0 $0x1;
	_ =	shalt  }
.Lfunc_end2:
_tile_overlayer_lowered:
.L_overlay_start_2:
0x3f: {  	(tag) =	ssettag $0x2  }
0x40: {  	s0 =	rddreg [dreg:$0x0];
	s2 =	stileid.u32  }
0x41: {  	s1 =	rddreg [dreg:$0x1];
	p0 =	sne.s32 s2, $0x0  }
0x42: {  	s3 =	rddreg [dreg:$0x2];
	[bflag:$0x3] =	sbarrier.arrive $0xFFFF;
	s2 =	simm.s32 @!p0 $0x1C01  }
0x43: {  	[timem:s3], [sflag:s2] =	dma.local @!p0 [hbm:s0], s1  }
0x44: {  	s0 =	simm.s32 @!p0 $0x1  }
0x45: {  	_ =	swait.ge @!p0 [sflag:s0], s1  }
0x46: {  	s1 =	ssub.s32 @!p0 $0x0, s1;
	[sflag:s0] =	ssyncset.done @!p0 $0x0  }
0x47: {  	[sflag:s0] =	ssyncadd.s32 @!p0 s1  }
0x48: {  	[bflag:$0x3] =	sbarrier.arrive $0xFFFF  }
0x49: {  	_ =	shalt  }

</sc_bundles>
